<compile_context>
chip_gen: v7x
topology: tpu7x:2x2x1
jax: 0.10.2.dev20260603
libtpu: 0.0.44.dev20260713+nightly
codegen_flags: <defaults>
</compile_context>

<pallas_src>
import functools

import jax
import jax.numpy as jnp
from jax import lax
from jax.experimental import pallas as pl
from jax.experimental.pallas import tpu as pltpu
from jax.experimental.pallas import tpu_sc as plsc

_PC_MIN_X = 0.0
_PC_MIN_Y = -40.0
_VOX_X = 0.05
_VOX_Y = 0.05
_STRIDE = 8
_NKP = 2048
_R1, _NS1 = 4.0, 16
_R2, _NS2 = 8.0, 32
_H, _W = 200, 176

_SC_NC, _SC_NS = 2, 16
_SC_NW = _SC_NC * _SC_NS



def _fps_body(x_ref, xs_ref, o_ref):
    B = x_ref.shape[0]
    li = (lax.broadcasted_iota(jnp.int32, (64, 128), 0) * 128
          + lax.broadcasted_iota(jnp.int32, (64, 128), 1)).astype(jnp.float32)
    big_f = jnp.float32(3e10)
    P = [(x_ref[b, 0], x_ref[b, 1], x_ref[b, 2]) for b in range(B)]

    for b in range(B):
        o_ref[b, 0, 0] = xs_ref[b, 0, 0]
        o_ref[b, 1, 0] = xs_ref[b, 1, 0]
        o_ref[b, 2, 0] = xs_ref[b, 2, 0]

    def body(i, carry):
        minds, lasts = carry
        new_minds = []
        new_lasts = []
        for b in range(B):
            X, Y, Z = P[b]
            lx, ly, lz = lasts[b]
            d = (X - lx) ** 2 + (Y - ly) ** 2 + (Z - lz) ** 2
            mind = jnp.minimum(minds[b], d)
            m = jnp.max(mind)
            cand = jnp.where(mind == m, li, big_f)
            j = jnp.min(cand).astype(jnp.int32)
            nx = xs_ref[b, 0, j]
            ny = xs_ref[b, 1, j]
            nz = xs_ref[b, 2, j]
            o_ref[b, 0, i] = nx
            o_ref[b, 1, i] = ny
            o_ref[b, 2, i] = nz
            new_minds.append(mind)
            new_lasts.append((nx, ny, nz))
        return (tuple(new_minds), tuple(new_lasts))

    mind0 = jnp.full((64, 128), 1e10, jnp.float32)
    lasts0 = tuple((xs_ref[b, 0, 0], xs_ref[b, 1, 0], xs_ref[b, 2, 0])
                   for b in range(B))
    lax.fori_loop(1, _NKP, body, (tuple(mind0 for _ in range(B)), lasts0))


def _fps_call(x4, xt):
    B = x4.shape[0]
    return pl.pallas_call(
        _fps_body,
        in_specs=[
            pl.BlockSpec(memory_space=pltpu.VMEM),
            pl.BlockSpec(memory_space=pltpu.SMEM),
        ],
        out_specs=pl.BlockSpec(memory_space=pltpu.SMEM),
        out_shape=jax.ShapeDtypeStruct((B, 3, _NKP), jnp.float32),
    )(x4, xt)



def _bev_gather(table, idx):
    n = idx.shape[0]
    per_w = n // _SC_NW
    chunks = per_w // 128
    mesh = plsc.VectorSubcoreMesh(core_axis_name="c", subcore_axis_name="s")

    @functools.partial(
        pl.kernel, mesh=mesh,
        out_type=jax.ShapeDtypeStruct((n, 256), jnp.float32),
        scratch_types=[
            pltpu.VMEM((128,), jnp.int32),
            pltpu.VMEM((128, 256), jnp.float32),
            pltpu.SemaphoreType.DMA,
        ],
    )
    def k(table_hbm, idx_hbm, out_hbm, idx_v, rows_v, sem):
        wid = lax.axis_index("s") * _SC_NC + lax.axis_index("c")
        for c in range(chunks):
            base = wid * per_w + c * 128
            pltpu.sync_copy(idx_hbm.at[pl.ds(base, 128)], idx_v)
            pltpu.async_copy(table_hbm.at[idx_v], rows_v, sem).wait()
            pltpu.sync_copy(rows_v, out_hbm.at[pl.ds(base, 128)])

    return k(table, idx)



_QB = 256


def _bq_body(kp_ref, xt_ref, pts_ref, w1a_ref, w1b_ref, w2a_ref, w2b_ref,
             o1_ref, o2_ref, scr_ref):
    Q = kp_ref[0]
    Xt = xt_ref[0]
    P = pts_ref[0]
    n = Xt.shape[1]
    qn = jnp.sum(Q * Q, axis=1, keepdims=True)
    xn = jnp.sum(Xt * Xt, axis=0, keepdims=True)
    qx = lax.dot_general(Q, Xt, (((1,), (0,)), ((), ())),
                         preferred_element_type=jnp.float32)
    scr_ref[...] = jnp.maximum(qn + xn - 2.0 * qx, 0.0)
    big_f = jnp.float32(3e10)

    W1a = w1a_ref[...]
    W1b = w1b_ref[...]
    W2a = w2a_ref[...]
    W2b = w2b_ref[...]

    def step(s, carry):
        pooled1, pooled2 = carry
        cur = scr_ref[...]
        m = jnp.min(cur, axis=1, keepdims=True)
        li = lax.broadcasted_iota(jnp.int32, (_QB, n), 1).astype(jnp.float32)
        cand = jnp.where(cur == m, li, big_f)
        j = jnp.min(cand, axis=1, keepdims=True)
        ohf = (cand == j).astype(jnp.float32)
        sel = lax.dot_general(ohf, P,
                              (((1,), (0,)), ((), ())),
                              preferred_element_type=jnp.float32)
        g = sel - Q
        h1 = jnp.maximum(jnp.dot(g, W1a), 0.0)
        h1 = jnp.maximum(jnp.dot(h1, W1b), 0.0)
        h2 = jnp.maximum(jnp.dot(g, W2a), 0.0)
        h2 = jnp.maximum(jnp.dot(h2, W2b), 0.0)
        v1 = (m <= _R1 * _R1) & (s < _NS1)
        pooled1 = jnp.where(v1, jnp.maximum(pooled1, h1), pooled1)
        v2 = m <= _R2 * _R2
        pooled2 = jnp.where(v2, jnp.maximum(pooled2, h2), pooled2)
        scr_ref[...] = cur + ohf * 1e10
        return (pooled1, pooled2)

    pooled1, pooled2 = lax.fori_loop(
        0, _NS2, step,
        (jnp.zeros((_QB, _NS1), jnp.float32),
         jnp.zeros((_QB, _NS2), jnp.float32)))
    o1_ref[0] = pooled1
    o2_ref[0] = pooled2


def _bq_call(keypoints, xt, pts, W1a, W1b, W2a, W2b):
    B, N, _ = pts.shape
    grid = (B, _NKP // _QB)
    return pl.pallas_call(
        _bq_body,
        grid=grid,
        in_specs=[
            pl.BlockSpec((1, _QB, 3), lambda b, q: (b, q, 0)),
            pl.BlockSpec((1, 3, N), lambda b, q: (b, 0, 0)),
            pl.BlockSpec((1, N, 3), lambda b, q: (b, 0, 0)),
            pl.BlockSpec((3, _NS1), lambda b, q: (0, 0)),
            pl.BlockSpec((_NS1, _NS1), lambda b, q: (0, 0)),
            pl.BlockSpec((3, _NS2), lambda b, q: (0, 0)),
            pl.BlockSpec((_NS2, _NS2), lambda b, q: (0, 0)),
        ],
        out_specs=[
            pl.BlockSpec((1, _QB, _NS1), lambda b, q: (b, q, 0)),
            pl.BlockSpec((1, _QB, _NS2), lambda b, q: (b, q, 0)),
        ],
        out_shape=[
            jax.ShapeDtypeStruct((B, _NKP, _NS1), jnp.float32),
            jax.ShapeDtypeStruct((B, _NKP, _NS2), jnp.float32),
        ],
        scratch_shapes=[pltpu.VMEM((_QB, N), jnp.float32)],
    )(keypoints, xt, pts, W1a, W1b, W2a, W2b)



def _fuse_body(rows_ref, w_ref, sa1_ref, sa2_ref, wf_ref, g_ref, b_ref, o_ref):
    bev = rows_ref[0] * w_ref[0]
    for c in range(1, 4):
        bev = bev + rows_ref[c] * w_ref[c]
    feats = jnp.concatenate([bev, sa1_ref[...], sa2_ref[...]], axis=1)
    h = jnp.dot(feats, wf_ref[...], preferred_element_type=jnp.float32)
    mean = jnp.mean(h, axis=0, keepdims=True)
    var = jnp.mean((h - mean) ** 2, axis=0, keepdims=True)
    hn = (h - mean) / jnp.sqrt(var + 1e-5) * g_ref[...] + b_ref[...]
    o_ref[...] = jnp.maximum(hn, 0.0)


def _fuse_call(rows, w4, sa1, sa2, Wf, gamma, beta):
    M = sa1.shape[0]
    return pl.pallas_call(
        _fuse_body,
        out_shape=jax.ShapeDtypeStruct((M, 128), jnp.float32),
    )(rows, w4, sa1, sa2, Wf, gamma.reshape(1, 128), beta.reshape(1, 128))



def kernel(voxel_centers, spatial_features, W1a, W1b, W2a, W2b, Wf, gamma,
           beta):
    B, N, _ = voxel_centers.shape
    K = _NKP
    xt = jnp.transpose(voxel_centers, (0, 2, 1))
    kp_t = _fps_call(xt.reshape(B, 3, N // 128, 128), xt)
    keypoints = jnp.transpose(kp_t, (0, 2, 1))

    xi = (keypoints[:, :, 0] - _PC_MIN_X) / _VOX_X / _STRIDE
    yi = (keypoints[:, :, 1] - _PC_MIN_Y) / _VOX_Y / _STRIDE
    x0 = jnp.floor(xi).astype(jnp.int32)
    x1 = x0 + 1
    y0 = jnp.floor(yi).astype(jnp.int32)
    y1 = y0 + 1
    x0 = jnp.clip(x0, 0, _W - 1)
    x1 = jnp.clip(x1, 0, _W - 1)
    y0 = jnp.clip(y0, 0, _H - 1)
    y1 = jnp.clip(y1, 0, _H - 1)
    x0f = x0.astype(jnp.float32)
    x1f = x1.astype(jnp.float32)
    y0f = y0.astype(jnp.float32)
    y1f = y1.astype(jnp.float32)
    wa = (x1f - xi) * (y1f - yi)
    wb = (x1f - xi) * (yi - y0f)
    wc = (xi - x0f) * (y1f - yi)
    wd = (xi - x0f) * (yi - y0f)
    boff = (jnp.arange(B, dtype=jnp.int32) * (_H * _W))[:, None]
    ia = boff + y0 * _W + x0
    ib = boff + y1 * _W + x0
    ic = boff + y0 * _W + x1
    idd = boff + y1 * _W + x1
    idx = jnp.stack([ia, ib, ic, idd]).reshape(-1)
    table = jnp.transpose(spatial_features, (0, 2, 3, 1)).reshape(
        B * _H * _W, 256)
    rows = _bev_gather(table, idx).reshape(4, B * K, 256)
    w4 = jnp.stack([wa, wb, wc, wd]).reshape(4, B * K, 1)

    pooled1, pooled2 = _bq_call(keypoints, xt, voxel_centers,
                                W1a, W1b, W2a, W2b)
    sa1 = pooled1.reshape(B * K, _NS1)
    sa2 = pooled2.reshape(B * K, _NS2)
    return _fuse_call(rows, w4, sa1, sa2, Wf, gamma, beta)

# --- scband reference (transcript-rebuilt; emitter-appended) ---
"""Pipeline reference for scband-voxel-sa-4681514353313 (READ-ONLY COPY).

The authoritative reference and input builder live on the scoring server;
editing this copy changes nothing except your own understanding.
"""

import jax, jax.numpy as jnp
import numpy as np

PC_RANGE = np.array([0.0, -40.0, -3.0, 70.4, 40.0, 1.0], dtype=np.float32)
VOXEL_SIZE = np.array([0.05, 0.05, 0.1], dtype=np.float32)
BEV_STRIDE = 8
NUM_KEYPOINTS = 2048
RADII = (4.0, 8.0)
NSAMPLES = (16, 32)


def fps(points, K):
    # farthest point sampling (standard PointNet++ variant of fps_f)
    N = points.shape[0]

    def body(i, state):
        idxs, mind = state
        last = points[idxs[i - 1]]
        d = jnp.sum((points - last) ** 2, axis=-1)
        mind = jnp.minimum(mind, d)
        nxt = jnp.argmax(mind).astype(jnp.int32)
        idxs = idxs.at[i].set(nxt)
        return (idxs, mind)

    idxs0 = jnp.zeros((K,), jnp.int32)
    mind0 = jnp.full((N,), 1e10, jnp.float32)
    idxs, _ = jax.lax.fori_loop(1, K, body, (idxs0, mind0))
    return idxs


def bilinear_interpolate(im, x, y):
    # im: (H, W, C), x: (N,), y: (N,)  -- faithful to bilinear_interpolate_torch
    x0 = jnp.floor(x).astype(jnp.int32)
    x1 = x0 + 1
    y0 = jnp.floor(y).astype(jnp.int32)
    y1 = y0 + 1
    x0 = jnp.clip(x0, 0, im.shape[1] - 1)
    x1 = jnp.clip(x1, 0, im.shape[1] - 1)
    y0 = jnp.clip(y0, 0, im.shape[0] - 1)
    y1 = jnp.clip(y1, 0, im.shape[0] - 1)
    Ia = im[y0, x0]
    Ib = im[y1, x0]
    Ic = im[y0, x1]
    Id = im[y1, x1]
    xf = x.astype(im.dtype)
    yf = y.astype(im.dtype)
    wa = (x1.astype(im.dtype) - xf) * (y1.astype(im.dtype) - yf)
    wb = (x1.astype(im.dtype) - xf) * (yf - y0.astype(im.dtype))
    wc = (xf - x0.astype(im.dtype)) * (y1.astype(im.dtype) - yf)
    wd = (xf - x0.astype(im.dtype)) * (yf - y0.astype(im.dtype))
    return Ia * wa[:, None] + Ib * wb[:, None] + Ic * wc[:, None] + Id * wd[:, None]


def group_pool(xyz, new_xyz, radius, nsample, Wa, Wb):
    # ball query + grouping + shared MLP + max-pool (StackSAModuleMSG branch, use_xyz=True, no point feats)
    d2 = (jnp.sum(new_xyz ** 2, -1, keepdims=True) + jnp.sum(xyz ** 2, -1)[None, :]
          - 2.0 * (new_xyz @ xyz.T))
    d2 = jnp.maximum(d2, 0.0)
    masked = jnp.where(d2 <= radius ** 2, d2, 1e10)
    neg_vals, idx = jax.lax.top_k(-masked, nsample)
    valid = (-neg_vals) <= radius ** 2
    grouped = xyz[idx] - new_xyz[:, None, :]
    grouped = jnp.where(valid[..., None], grouped, grouped[:, :1, :])
    h = jax.nn.relu(grouped @ Wa)
    h = jax.nn.relu(h @ Wb)
    pooled = jnp.max(h, axis=1)
    has_valid = jnp.any(valid, axis=1)
    return jnp.where(has_valid[:, None], pooled, 0.0)


def setup_inputs(seed: int = 0):
    key = jax.random.key(seed)
    ks = jax.random.split(key, 10)
    B, N = 2, 8192
    low = jnp.asarray(PC_RANGE[:3])
    high = jnp.asarray(PC_RANGE[3:])
    voxel_centers = jax.random.uniform(ks[0], (B, N, 3), dtype=jnp.float32) * (high - low) + low
    spatial_features = jax.random.normal(ks[1], (B, 256, 200, 176), dtype=jnp.float32)
    W1a = jax.random.normal(ks[2], (3, 16), dtype=jnp.float32) * 0.1
    W1b = jax.random.normal(ks[3], (16, 16), dtype=jnp.float32) * 0.1
    W2a = jax.random.normal(ks[4], (3, 32), dtype=jnp.float32) * 0.1
    W2b = jax.random.normal(ks[5], (32, 32), dtype=jnp.float32) * 0.1
    Wf = jax.random.normal(ks[6], (304, 128), dtype=jnp.float32) * 0.05
    gamma = jnp.ones((128,), jnp.float32)
    beta = jnp.zeros((128,), jnp.float32)
    return {"voxel_centers": voxel_centers, "spatial_features": spatial_features,
            "W1a": W1a, "W1b": W1b, "W2a": W2a, "W2b": W2b,
            "Wf": Wf, "gamma": gamma, "beta": beta}


def reference(voxel_centers, spatial_features, W1a, W1b, W2a, W2b, Wf, gamma, beta):
    B, N, _ = voxel_centers.shape
    K = NUM_KEYPOINTS
    # 1) FPS keypoints (get_fps_points)
    kp = []
    for b in range(B):
        pts = voxel_centers[b]
        idx = fps(jax.lax.stop_gradient(pts), K)
        kp.append(pts[idx])
    keypoints = jnp.stack(kp)  # [B, K, 3]
    # 2) BEV bilinear interpolation (interpolate_from_bev_features)
    x_idxs = (keypoints[:, :, 0] - PC_RANGE[0]) / VOXEL_SIZE[0] / BEV_STRIDE
    y_idxs = (keypoints[:, :, 1] - PC_RANGE[1]) / VOXEL_SIZE[1] / BEV_STRIDE
    bev = []
    for b in range(B):
        im = jnp.transpose(spatial_features[b], (1, 2, 0))
        bev.append(bilinear_interpolate(im, x_idxs[b], y_idxs[b]))
    bev = jnp.stack(bev)  # [B, K, 256]
    # 3) MSG set abstraction on voxel centers
    sa = []
    for b in range(B):
        f1 = group_pool(voxel_centers[b], keypoints[b], RADII[0], NSAMPLES[0], W1a, W1b)
        f2 = group_pool(voxel_centers[b], keypoints[b], RADII[1], NSAMPLES[1], W2a, W2b)
        sa.append(jnp.concatenate([f1, f2], axis=-1))
    sa = jnp.stack(sa)  # [B, K, 48]
    # 4) fusion: Linear(304->128, no bias) + BatchNorm1d (train mode) + ReLU
    feats = jnp.concatenate([bev, sa], axis=-1).reshape(B * K, -1)
    h = feats @ Wf
    mean = jnp.mean(h, axis=0)
    var = jnp.var(h, axis=0)
    h = (h - mean) / jnp.sqrt(var + 1e-5) * gamma + beta
    return jax.nn.relu(h)

if __name__ == "__main__":
    import jax
    _d = setup_inputs()
    print(jax.jit(kernel)(*tuple(_d.values())))

</pallas_src>

<mosaic_0001>
#map = affine_map<(d0, d1) -> (0, 0)>
#map1 = affine_map<(d0, d1) -> (0)>
module attributes {stable_mosaic.version = 14 : i64} {
  func.func @k(%arg0: i32, %arg1: i32, %arg2: memref<70400x256xf32, #tpu.memory_space<hbm>>, %arg3: memref<16384xi32, #tpu.memory_space<hbm>>, %arg4: memref<16384x256xf32, #tpu.memory_space<hbm>>, %arg5: memref<128xi32, #tpu.memory_space<vmem>>, %arg6: memref<128x256xf32, #tpu.memory_space<vmem>>, %arg7: memref<!tpu.dma_semaphore, #tpu.memory_space<semaphore_mem>>) attributes {dimension_semantics = [#tpu.dimension_semantics<core_parallel>, #tpu.dimension_semantics<subcore_parallel>], iteration_bounds = array<i64: 2, 16>, scalar_prefetch = 0 : i64, scratch_operands = 3 : i64, tpu.core_type = #tpu.core_type<sc_vector_subcore>, window_params = [{transform_indices = #map}, {transform_indices = #map1}, {transform_indices = #map}]} {
    %mul3A = arith.constant 2 : i32
    %mul3A_0 = arith.muli %arg1, %mul3A : i32
    %add3A = arith.addi %mul3A_0, %arg0 : i32
    %mul3A_1 = arith.constant 512 : i32
    %mul3A_2 = arith.muli %add3A, %mul3A_1 : i32
    %add3A_3 = arith.constant 0 : i32
    %add3A_4 = arith.addi %mul3A_2, %add3A_3 : i32
    "tpu.region"() ({
      %run_scoped3A = tpu.sem_alloc : memref<!tpu.dma_semaphore, #tpu.memory_space<semaphore_mem>>
      %dma_start3A_39 = tpu.memref_slice %arg3[%add3A_4] : memref<16384xi32, #tpu.memory_space<hbm>> -> memref<128xi32, #tpu.memory_space<hbm>>
      %dma_start3A_40 = tpu.memref_slice %arg3[%add3A_4] : memref<16384xi32, #tpu.memory_space<hbm>> -> memref<128xi32, #tpu.memory_space<hbm>>
      tpu.enqueue_dma source(%dma_start3A_40 : memref<128xi32, #tpu.memory_space<hbm>>) target(%arg5 : memref<128xi32, #tpu.memory_space<vmem>>) target_semaphore(%run_scoped3A : memref<!tpu.dma_semaphore, #tpu.memory_space<semaphore_mem>>)
      %dma_wait3A_41 = tpu.memref_slice %arg3[%add3A_4] : memref<16384xi32, #tpu.memory_space<hbm>> -> memref<128xi32, #tpu.memory_space<hbm>>
      %dma_wait3A_42 = tpu.memref_slice %arg3[%add3A_4] : memref<16384xi32, #tpu.memory_space<hbm>> -> memref<128xi32, #tpu.memory_space<hbm>>
      tpu.wait_dma2 semaphore(%run_scoped3A : memref<!tpu.dma_semaphore, #tpu.memory_space<semaphore_mem>>) src(%dma_wait3A_42 : memref<128xi32, #tpu.memory_space<hbm>>) dst(%arg5 : memref<128xi32, #tpu.memory_space<vmem>>)
      tpu.yield
    }) : () -> ()
    %dma_start3A = arith.constant 0 : i32
    %dma_start3A_5 = arith.constant 0 : i32
    %dma_start3A_6 = tpu.memref_slice %arg2[%dma_start3A, %dma_start3A_5] : memref<70400x256xf32, #tpu.memory_space<hbm>> -> memref<70400x256xf32, #tpu.memory_space<hbm>>
    tpu.enqueue_indirect_dma source(%dma_start3A_6 : memref<70400x256xf32, #tpu.memory_space<hbm>>) target(%arg6 : memref<128x256xf32, #tpu.memory_space<vmem>>) offsets(%arg5 : memref<128xi32, #tpu.memory_space<vmem>>) semaphore(%arg7 : memref<!tpu.dma_semaphore, #tpu.memory_space<semaphore_mem>>)
    %dma_wait3A = arith.constant 0 : i32
    %dma_wait3A_7 = arith.constant 0 : i32
    %dma_wait3A_8 = tpu.memref_slice %arg2[%dma_wait3A, %dma_wait3A_7] : memref<70400x256xf32, #tpu.memory_space<hbm>> -> memref<70400x256xf32, #tpu.memory_space<hbm>>
    tpu.wait_indirect_dma semaphore(%arg7 : memref<!tpu.dma_semaphore, #tpu.memory_space<semaphore_mem>>) src(%dma_wait3A_8 : memref<70400x256xf32, #tpu.memory_space<hbm>>) dst(%arg6 : memref<128x256xf32, #tpu.memory_space<vmem>>)
    "tpu.region"() ({
      %run_scoped3A = tpu.sem_alloc : memref<!tpu.dma_semaphore, #tpu.memory_space<semaphore_mem>>
      %dma_start3A_39 = arith.constant 0 : i32
      %dma_start3A_40 = tpu.memref_slice %arg4[%add3A_4, %dma_start3A_39] : memref<16384x256xf32, #tpu.memory_space<hbm>> -> memref<128x256xf32, #tpu.memory_space<hbm>>
      %dma_start3A_41 = arith.constant 0 : i32
      %dma_start3A_42 = tpu.memref_slice %arg4[%add3A_4, %dma_start3A_41] : memref<16384x256xf32, #tpu.memory_space<hbm>> -> memref<128x256xf32, #tpu.memory_space<hbm>>
      tpu.enqueue_dma source(%arg6 : memref<128x256xf32, #tpu.memory_space<vmem>>) target(%dma_start3A_42 : memref<128x256xf32, #tpu.memory_space<hbm>>) target_semaphore(%run_scoped3A : memref<!tpu.dma_semaphore, #tpu.memory_space<semaphore_mem>>)
      %dma_wait3A_43 = arith.constant 0 : i32
      %dma_wait3A_44 = tpu.memref_slice %arg4[%add3A_4, %dma_wait3A_43] : memref<16384x256xf32, #tpu.memory_space<hbm>> -> memref<128x256xf32, #tpu.memory_space<hbm>>
      %dma_wait3A_45 = arith.constant 0 : i32
      %dma_wait3A_46 = tpu.memref_slice %arg4[%add3A_4, %dma_wait3A_45] : memref<16384x256xf32, #tpu.memory_space<hbm>> -> memref<128x256xf32, #tpu.memory_space<hbm>>
      tpu.wait_dma2 semaphore(%run_scoped3A : memref<!tpu.dma_semaphore, #tpu.memory_space<semaphore_mem>>) src(%arg6 : memref<128x256xf32, #tpu.memory_space<vmem>>) dst(%dma_wait3A_46 : memref<128x256xf32, #tpu.memory_space<hbm>>)
      tpu.yield
    }) : () -> ()
    %mul3A_9 = arith.constant 512 : i32
    %mul3A_10 = arith.muli %add3A, %mul3A_9 : i32
    %add3A_11 = arith.constant 128 : i32
    %add3A_12 = arith.addi %mul3A_10, %add3A_11 : i32
    "tpu.region"() ({
      %run_scoped3A = tpu.sem_alloc : memref<!tpu.dma_semaphore, #tpu.memory_space<semaphore_mem>>
      %dma_start3A_39 = tpu.memref_slice %arg3[%add3A_12] : memref<16384xi32, #tpu.memory_space<hbm>> -> memref<128xi32, #tpu.memory_space<hbm>>
      %dma_start3A_40 = tpu.memref_slice %arg3[%add3A_12] : memref<16384xi32, #tpu.memory_space<hbm>> -> memref<128xi32, #tpu.memory_space<hbm>>
      tpu.enqueue_dma source(%dma_start3A_40 : memref<128xi32, #tpu.memory_space<hbm>>) target(%arg5 : memref<128xi32, #tpu.memory_space<vmem>>) target_semaphore(%run_scoped3A : memref<!tpu.dma_semaphore, #tpu.memory_space<semaphore_mem>>)
      %dma_wait3A_41 = tpu.memref_slice %arg3[%add3A_12] : memref<16384xi32, #tpu.memory_space<hbm>> -> memref<128xi32, #tpu.memory_space<hbm>>
      %dma_wait3A_42 = tpu.memref_slice %arg3[%add3A_12] : memref<16384xi32, #tpu.memory_space<hbm>> -> memref<128xi32, #tpu.memory_space<hbm>>
      tpu.wait_dma2 semaphore(%run_scoped3A : memref<!tpu.dma_semaphore, #tpu.memory_space<semaphore_mem>>) src(%dma_wait3A_42 : memref<128xi32, #tpu.memory_space<hbm>>) dst(%arg5 : memref<128xi32, #tpu.memory_space<vmem>>)
      tpu.yield
    }) : () -> ()
    %dma_start3A_13 = arith.constant 0 : i32
    %dma_start3A_14 = arith.constant 0 : i32
    %dma_start3A_15 = tpu.memref_slice %arg2[%dma_start3A_13, %dma_start3A_14] : memref<70400x256xf32, #tpu.memory_space<hbm>> -> memref<70400x256xf32, #tpu.memory_space<hbm>>
    tpu.enqueue_indirect_dma source(%dma_start3A_15 : memref<70400x256xf32, #tpu.memory_space<hbm>>) target(%arg6 : memref<128x256xf32, #tpu.memory_space<vmem>>) offsets(%arg5 : memref<128xi32, #tpu.memory_space<vmem>>) semaphore(%arg7 : memref<!tpu.dma_semaphore, #tpu.memory_space<semaphore_mem>>)
    %dma_wait3A_16 = arith.constant 0 : i32
    %dma_wait3A_17 = arith.constant 0 : i32
    %dma_wait3A_18 = tpu.memref_slice %arg2[%dma_wait3A_16, %dma_wait3A_17] : memref<70400x256xf32, #tpu.memory_space<hbm>> -> memref<70400x256xf32, #tpu.memory_space<hbm>>
    tpu.wait_indirect_dma semaphore(%arg7 : memref<!tpu.dma_semaphore, #tpu.memory_space<semaphore_mem>>) src(%dma_wait3A_18 : memref<70400x256xf32, #tpu.memory_space<hbm>>) dst(%arg6 : memref<128x256xf32, #tpu.memory_space<vmem>>)
    "tpu.region"() ({
      %run_scoped3A = tpu.sem_alloc : memref<!tpu.dma_semaphore, #tpu.memory_space<semaphore_mem>>
      %dma_start3A_39 = arith.constant 0 : i32
      %dma_start3A_40 = tpu.memref_slice %arg4[%add3A_12, %dma_start3A_39] : memref<16384x256xf32, #tpu.memory_space<hbm>> -> memref<128x256xf32, #tpu.memory_space<hbm>>
      %dma_start3A_41 = arith.constant 0 : i32
      %dma_start3A_42 = tpu.memref_slice %arg4[%add3A_12, %dma_start3A_41] : memref<16384x256xf32, #tpu.memory_space<hbm>> -> memref<128x256xf32, #tpu.memory_space<hbm>>
      tpu.enqueue_dma source(%arg6 : memref<128x256xf32, #tpu.memory_space<vmem>>) target(%dma_start3A_42 : memref<128x256xf32, #tpu.memory_space<hbm>>) target_semaphore(%run_scoped3A : memref<!tpu.dma_semaphore, #tpu.memory_space<semaphore_mem>>)
      %dma_wait3A_43 = arith.constant 0 : i32
      %dma_wait3A_44 = tpu.memref_slice %arg4[%add3A_12, %dma_wait3A_43] : memref<16384x256xf32, #tpu.memory_space<hbm>> -> memref<128x256xf32, #tpu.memory_space<hbm>>
      %dma_wait3A_45 = arith.constant 0 : i32
      %dma_wait3A_46 = tpu.memref_slice %arg4[%add3A_12, %dma_wait3A_45] : memref<16384x256xf32, #tpu.memory_space<hbm>> -> memref<128x256xf32, #tpu.memory_space<hbm>>
      tpu.wait_dma2 semaphore(%run_scoped3A : memref<!tpu.dma_semaphore, #tpu.memory_space<semaphore_mem>>) src(%arg6 : memref<128x256xf32, #tpu.memory_space<vmem>>) dst(%dma_wait3A_46 : memref<128x256xf32, #tpu.memory_space<hbm>>)
      tpu.yield
    }) : () -> ()
    %mul3A_19 = arith.constant 512 : i32
    %mul3A_20 = arith.muli %add3A, %mul3A_19 : i32
    %add3A_21 = arith.constant 256 : i32
    %add3A_22 = arith.addi %mul3A_20, %add3A_21 : i32
    "tpu.region"() ({
      %run_scoped3A = tpu.sem_alloc : memref<!tpu.dma_semaphore, #tpu.memory_space<semaphore_mem>>
      %dma_start3A_39 = tpu.memref_slice %arg3[%add3A_22] : memref<16384xi32, #tpu.memory_space<hbm>> -> memref<128xi32, #tpu.memory_space<hbm>>
      %dma_start3A_40 = tpu.memref_slice %arg3[%add3A_22] : memref<16384xi32, #tpu.memory_space<hbm>> -> memref<128xi32, #tpu.memory_space<hbm>>
      tpu.enqueue_dma source(%dma_start3A_40 : memref<128xi32, #tpu.memory_space<hbm>>) target(%arg5 : memref<128xi32, #tpu.memory_space<vmem>>) target_semaphore(%run_scoped3A : memref<!tpu.dma_semaphore, #tpu.memory_space<semaphore_mem>>)
      %dma_wait3A_41 = tpu.memref_slice %arg3[%add3A_22] : memref<16384xi32, #tpu.memory_space<hbm>> -> memref<128xi32, #tpu.memory_space<hbm>>
      %dma_wait3A_42 = tpu.memref_slice %arg3[%add3A_22] : memref<16384xi32, #tpu.memory_space<hbm>> -> memref<128xi32, #tpu.memory_space<hbm>>
      tpu.wait_dma2 semaphore(%run_scoped3A : memref<!tpu.dma_semaphore, #tpu.memory_space<semaphore_mem>>) src(%dma_wait3A_42 : memref<128xi32, #tpu.memory_space<hbm>>) dst(%arg5 : memref<128xi32, #tpu.memory_space<vmem>>)
      tpu.yield
    }) : () -> ()
    %dma_start3A_23 = arith.constant 0 : i32
    %dma_start3A_24 = arith.constant 0 : i32
    %dma_start3A_25 = tpu.memref_slice %arg2[%dma_start3A_23, %dma_start3A_24] : memref<70400x256xf32, #tpu.memory_space<hbm>> -> memref<70400x256xf32, #tpu.memory_space<hbm>>
    tpu.enqueue_indirect_dma source(%dma_start3A_25 : memref<70400x256xf32, #tpu.memory_space<hbm>>) target(%arg6 : memref<128x256xf32, #tpu.memory_space<vmem>>) offsets(%arg5 : memref<128xi32, #tpu.memory_space<vmem>>) semaphore(%arg7 : memref<!tpu.dma_semaphore, #tpu.memory_space<semaphore_mem>>)
    %dma_wait3A_26 = arith.constant 0 : i32
    %dma_wait3A_27 = arith.constant 0 : i32
    %dma_wait3A_28 = tpu.memref_slice %arg2[%dma_wait3A_26, %dma_wait3A_27] : memref<70400x256xf32, #tpu.memory_space<hbm>> -> memref<70400x256xf32, #tpu.memory_space<hbm>>
    tpu.wait_indirect_dma semaphore(%arg7 : memref<!tpu.dma_semaphore, #tpu.memory_space<semaphore_mem>>) src(%dma_wait3A_28 : memref<70400x256xf32, #tpu.memory_space<hbm>>) dst(%arg6 : memref<128x256xf32, #tpu.memory_space<vmem>>)
    "tpu.region"() ({
      %run_scoped3A = tpu.sem_alloc : memref<!tpu.dma_semaphore, #tpu.memory_space<semaphore_mem>>
      %dma_start3A_39 = arith.constant 0 : i32
      %dma_start3A_40 = tpu.memref_slice %arg4[%add3A_22, %dma_start3A_39] : memref<16384x256xf32, #tpu.memory_space<hbm>> -> memref<128x256xf32, #tpu.memory_space<hbm>>
      %dma_start3A_41 = arith.constant 0 : i32
      %dma_start3A_42 = tpu.memref_slice %arg4[%add3A_22, %dma_start3A_41] : memref<16384x256xf32, #tpu.memory_space<hbm>> -> memref<128x256xf32, #tpu.memory_space<hbm>>
      tpu.enqueue_dma source(%arg6 : memref<128x256xf32, #tpu.memory_space<vmem>>) target(%dma_start3A_42 : memref<128x256xf32, #tpu.memory_space<hbm>>) target_semaphore(%run_scoped3A : memref<!tpu.dma_semaphore, #tpu.memory_space<semaphore_mem>>)
      %dma_wait3A_43 = arith.constant 0 : i32
      %dma_wait3A_44 = tpu.memref_slice %arg4[%add3A_22, %dma_wait3A_43] : memref<16384x256xf32, #tpu.memory_space<hbm>> -> memref<128x256xf32, #tpu.memory_space<hbm>>
      %dma_wait3A_45 = arith.constant 0 : i32
      %dma_wait3A_46 = tpu.memref_slice %arg4[%add3A_22, %dma_wait3A_45] : memref<16384x256xf32, #tpu.memory_space<hbm>> -> memref<128x256xf32, #tpu.memory_space<hbm>>
      tpu.wait_dma2 semaphore(%run_scoped3A : memref<!tpu.dma_semaphore, #tpu.memory_space<semaphore_mem>>) src(%arg6 : memref<128x256xf32, #tpu.memory_space<vmem>>) dst(%dma_wait3A_46 : memref<128x256xf32, #tpu.memory_space<hbm>>)
      tpu.yield
    }) : () -> ()
    %mul3A_29 = arith.constant 512 : i32
    %mul3A_30 = arith.muli %add3A, %mul3A_29 : i32
    %add3A_31 = arith.constant 384 : i32
    %add3A_32 = arith.addi %mul3A_30, %add3A_31 : i32
    "tpu.region"() ({
      %run_scoped3A = tpu.sem_alloc : memref<!tpu.dma_semaphore, #tpu.memory_space<semaphore_mem>>
      %dma_start3A_39 = tpu.memref_slice %arg3[%add3A_32] : memref<16384xi32, #tpu.memory_space<hbm>> -> memref<128xi32, #tpu.memory_space<hbm>>
      %dma_start3A_40 = tpu.memref_slice %arg3[%add3A_32] : memref<16384xi32, #tpu.memory_space<hbm>> -> memref<128xi32, #tpu.memory_space<hbm>>
      tpu.enqueue_dma source(%dma_start3A_40 : memref<128xi32, #tpu.memory_space<hbm>>) target(%arg5 : memref<128xi32, #tpu.memory_space<vmem>>) target_semaphore(%run_scoped3A : memref<!tpu.dma_semaphore, #tpu.memory_space<semaphore_mem>>)
      %dma_wait3A_41 = tpu.memref_slice %arg3[%add3A_32] : memref<16384xi32, #tpu.memory_space<hbm>> -> memref<128xi32, #tpu.memory_space<hbm>>
      %dma_wait3A_42 = tpu.memref_slice %arg3[%add3A_32] : memref<16384xi32, #tpu.memory_space<hbm>> -> memref<128xi32, #tpu.memory_space<hbm>>
      tpu.wait_dma2 semaphore(%run_scoped3A : memref<!tpu.dma_semaphore, #tpu.memory_space<semaphore_mem>>) src(%dma_wait3A_42 : memref<128xi32, #tpu.memory_space<hbm>>) dst(%arg5 : memref<128xi32, #tpu.memory_space<vmem>>)
      tpu.yield
    }) : () -> ()
    %dma_start3A_33 = arith.constant 0 : i32
    %dma_start3A_34 = arith.constant 0 : i32
    %dma_start3A_35 = tpu.memref_slice %arg2[%dma_start3A_33, %dma_start3A_34] : memref<70400x256xf32, #tpu.memory_space<hbm>> -> memref<70400x256xf32, #tpu.memory_space<hbm>>
    tpu.enqueue_indirect_dma source(%dma_start3A_35 : memref<70400x256xf32, #tpu.memory_space<hbm>>) target(%arg6 : memref<128x256xf32, #tpu.memory_space<vmem>>) offsets(%arg5 : memref<128xi32, #tpu.memory_space<vmem>>) semaphore(%arg7 : memref<!tpu.dma_semaphore, #tpu.memory_space<semaphore_mem>>)
    %dma_wait3A_36 = arith.constant 0 : i32
    %dma_wait3A_37 = arith.constant 0 : i32
    %dma_wait3A_38 = tpu.memref_slice %arg2[%dma_wait3A_36, %dma_wait3A_37] : memref<70400x256xf32, #tpu.memory_space<hbm>> -> memref<70400x256xf32, #tpu.memory_space<hbm>>
    tpu.wait_indirect_dma semaphore(%arg7 : memref<!tpu.dma_semaphore, #tpu.memory_space<semaphore_mem>>) src(%dma_wait3A_38 : memref<70400x256xf32, #tpu.memory_space<hbm>>) dst(%arg6 : memref<128x256xf32, #tpu.memory_space<vmem>>)
    "tpu.region"() ({
      %run_scoped3A = tpu.sem_alloc : memref<!tpu.dma_semaphore, #tpu.memory_space<semaphore_mem>>
      %dma_start3A_39 = arith.constant 0 : i32
      %dma_start3A_40 = tpu.memref_slice %arg4[%add3A_32, %dma_start3A_39] : memref<16384x256xf32, #tpu.memory_space<hbm>> -> memref<128x256xf32, #tpu.memory_space<hbm>>
      %dma_start3A_41 = arith.constant 0 : i32
      %dma_start3A_42 = tpu.memref_slice %arg4[%add3A_32, %dma_start3A_41] : memref<16384x256xf32, #tpu.memory_space<hbm>> -> memref<128x256xf32, #tpu.memory_space<hbm>>
      tpu.enqueue_dma source(%arg6 : memref<128x256xf32, #tpu.memory_space<vmem>>) target(%dma_start3A_42 : memref<128x256xf32, #tpu.memory_space<hbm>>) target_semaphore(%run_scoped3A : memref<!tpu.dma_semaphore, #tpu.memory_space<semaphore_mem>>)
      %dma_wait3A_43 = arith.constant 0 : i32
      %dma_wait3A_44 = tpu.memref_slice %arg4[%add3A_32, %dma_wait3A_43] : memref<16384x256xf32, #tpu.memory_space<hbm>> -> memref<128x256xf32, #tpu.memory_space<hbm>>
      %dma_wait3A_45 = arith.constant 0 : i32
      %dma_wait3A_46 = tpu.memref_slice %arg4[%add3A_32, %dma_wait3A_45] : memref<16384x256xf32, #tpu.memory_space<hbm>> -> memref<128x256xf32, #tpu.memory_space<hbm>>
      tpu.wait_dma2 semaphore(%run_scoped3A : memref<!tpu.dma_semaphore, #tpu.memory_space<semaphore_mem>>) src(%arg6 : memref<128x256xf32, #tpu.memory_space<vmem>>) dst(%dma_wait3A_46 : memref<128x256xf32, #tpu.memory_space<hbm>>)
      tpu.yield
    }) : () -> ()
    return
  }
}

module attributes {stable_mosaic.version = 14 : i64} {
  func.func @_fps_body(%arg0: memref<2x3x64x128xf32, #tpu.memory_space<vmem>>, %arg1: memref<2x3x8192xf32, #tpu.memory_space<smem>>, %arg2: memref<2x3x2048xf32, #tpu.memory_space<smem>>) attributes {dimension_semantics = [], scalar_prefetch = 0 : i64, scratch_operands = 0 : i64, tpu.core_type = #tpu.core_type<tc>} {
    %iota3A = tpu.iota {dimensions = array<i32: 0>} : vector<64x128xi32>
    %mul3A = arith.constant 128 : i32
    %mul3A_0 = vector.broadcast %mul3A : i32 to vector<64x128xi32>
    %mul3A_1 = arith.muli %iota3A, %mul3A_0 : vector<64x128xi32>
    %iota3A_2 = tpu.iota {dimensions = array<i32: 1>} : vector<64x128xi32>
    %add3A = arith.addi %mul3A_1, %iota3A_2 : vector<64x128xi32>
    %convert_element_type3A = arith.sitofp %add3A : vector<64x128xi32> to vector<64x128xf32>
    %get3A = arith.constant 0 : index
    %get3A_3 = arith.constant 0 : index
    %get3A_4 = arith.constant 0 : index
    %get3A_5 = arith.constant 0 : index
    %get3A_6 = vector.load %arg0[%get3A, %get3A_3, %get3A_4, %get3A_5] : memref<2x3x64x128xf32, #tpu.memory_space<vmem>>, vector<1x1x64x128xf32>
    %get3A_7 = vector.shape_cast %get3A_6 : vector<1x1x64x128xf32> to vector<64x128xf32>
    %get3A_8 = arith.constant 0 : index
    %get3A_9 = arith.constant 1 : index
    %get3A_10 = arith.constant 0 : index
    %get3A_11 = arith.constant 0 : index
    %get3A_12 = vector.load %arg0[%get3A_8, %get3A_9, %get3A_10, %get3A_11] : memref<2x3x64x128xf32, #tpu.memory_space<vmem>>, vector<1x1x64x128xf32>
    %get3A_13 = vector.shape_cast %get3A_12 : vector<1x1x64x128xf32> to vector<64x128xf32>
    %get3A_14 = arith.constant 0 : index
    %get3A_15 = arith.constant 2 : index
    %get3A_16 = arith.constant 0 : index
    %get3A_17 = arith.constant 0 : index
    %get3A_18 = vector.load %arg0[%get3A_14, %get3A_15, %get3A_16, %get3A_17] : memref<2x3x64x128xf32, #tpu.memory_space<vmem>>, vector<1x1x64x128xf32>
    %get3A_19 = vector.shape_cast %get3A_18 : vector<1x1x64x128xf32> to vector<64x128xf32>
    %get3A_20 = arith.constant 1 : index
    %get3A_21 = arith.constant 0 : index
    %get3A_22 = arith.constant 0 : index
    %get3A_23 = arith.constant 0 : index
    %get3A_24 = vector.load %arg0[%get3A_20, %get3A_21, %get3A_22, %get3A_23] : memref<2x3x64x128xf32, #tpu.memory_space<vmem>>, vector<1x1x64x128xf32>
    %get3A_25 = vector.shape_cast %get3A_24 : vector<1x1x64x128xf32> to vector<64x128xf32>
    %get3A_26 = arith.constant 1 : index
    %get3A_27 = arith.constant 1 : index
    %get3A_28 = arith.constant 0 : index
    %get3A_29 = arith.constant 0 : index
    %get3A_30 = vector.load %arg0[%get3A_26, %get3A_27, %get3A_28, %get3A_29] : memref<2x3x64x128xf32, #tpu.memory_space<vmem>>, vector<1x1x64x128xf32>
    %get3A_31 = vector.shape_cast %get3A_30 : vector<1x1x64x128xf32> to vector<64x128xf32>
    %get3A_32 = arith.constant 1 : index
    %get3A_33 = arith.constant 2 : index
    %get3A_34 = arith.constant 0 : index
    %get3A_35 = arith.constant 0 : index
    %get3A_36 = vector.load %arg0[%get3A_32, %get3A_33, %get3A_34, %get3A_35] : memref<2x3x64x128xf32, #tpu.memory_space<vmem>>, vector<1x1x64x128xf32>
    %get3A_37 = vector.shape_cast %get3A_36 : vector<1x1x64x128xf32> to vector<64x128xf32>
    %get3A_38 = arith.constant 0 : index
    %get3A_39 = arith.constant 0 : index
    %get3A_40 = arith.constant 0 : index
    %get3A_41 = memref.load %arg1[%get3A_38, %get3A_39, %get3A_40] : memref<2x3x8192xf32, #tpu.memory_space<smem>>
    %swap3A = arith.constant 0 : index
    %swap3A_42 = arith.constant 0 : index
    %swap3A_43 = arith.constant 0 : index
    %swap3A_44 = memref.load %arg2[%swap3A, %swap3A_42, %swap3A_43] : memref<2x3x2048xf32, #tpu.memory_space<smem>>
    memref.store %get3A_41, %arg2[%swap3A, %swap3A_42, %swap3A_43] : memref<2x3x2048xf32, #tpu.memory_space<smem>>
    %get3A_45 = arith.constant 0 : index
    %get3A_46 = arith.constant 1 : index
    %get3A_47 = arith.constant 0 : index
    %get3A_48 = memref.load %arg1[%get3A_45, %get3A_46, %get3A_47] : memref<2x3x8192xf32, #tpu.memory_space<smem>>
    %swap3A_49 = arith.constant 0 : index
    %swap3A_50 = arith.constant 1 : index
    %swap3A_51 = arith.constant 0 : index
    %swap3A_52 = memref.load %arg2[%swap3A_49, %swap3A_50, %swap3A_51] : memref<2x3x2048xf32, #tpu.memory_space<smem>>
    memref.store %get3A_48, %arg2[%swap3A_49, %swap3A_50, %swap3A_51] : memref<2x3x2048xf32, #tpu.memory_space<smem>>
    %get3A_53 = arith.constant 0 : index
    %get3A_54 = arith.constant 2 : index
    %get3A_55 = arith.constant 0 : index
    %get3A_56 = memref.load %arg1[%get3A_53, %get3A_54, %get3A_55] : memref<2x3x8192xf32, #tpu.memory_space<smem>>
    %swap3A_57 = arith.constant 0 : index
    %swap3A_58 = arith.constant 2 : index
    %swap3A_59 = arith.constant 0 : index
    %swap3A_60 = memref.load %arg2[%swap3A_57, %swap3A_58, %swap3A_59] : memref<2x3x2048xf32, #tpu.memory_space<smem>>
    memref.store %get3A_56, %arg2[%swap3A_57, %swap3A_58, %swap3A_59] : memref<2x3x2048xf32, #tpu.memory_space<smem>>
    %get3A_61 = arith.constant 1 : index
    %get3A_62 = arith.constant 0 : index
    %get3A_63 = arith.constant 0 : index
    %get3A_64 = memref.load %arg1[%get3A_61, %get3A_62, %get3A_63] : memref<2x3x8192xf32, #tpu.memory_space<smem>>
    %swap3A_65 = arith.constant 1 : index
    %swap3A_66 = arith.constant 0 : index
    %swap3A_67 = arith.constant 0 : index
    %swap3A_68 = memref.load %arg2[%swap3A_65, %swap3A_66, %swap3A_67] : memref<2x3x2048xf32, #tpu.memory_space<smem>>
    memref.store %get3A_64, %arg2[%swap3A_65, %swap3A_66, %swap3A_67] : memref<2x3x2048xf32, #tpu.memory_space<smem>>
    %get3A_69 = arith.constant 1 : index
    %get3A_70 = arith.constant 1 : index
    %get3A_71 = arith.constant 0 : index
    %get3A_72 = memref.load %arg1[%get3A_69, %get3A_70, %get3A_71] : memref<2x3x8192xf32, #tpu.memory_space<smem>>
    %swap3A_73 = arith.constant 1 : index
    %swap3A_74 = arith.constant 1 : index
    %swap3A_75 = arith.constant 0 : index
    %swap3A_76 = memref.load %arg2[%swap3A_73, %swap3A_74, %swap3A_75] : memref<2x3x2048xf32, #tpu.memory_space<smem>>
    memref.store %get3A_72, %arg2[%swap3A_73, %swap3A_74, %swap3A_75] : memref<2x3x2048xf32, #tpu.memory_space<smem>>
    %get3A_77 = arith.constant 1 : index
    %get3A_78 = arith.constant 2 : index
    %get3A_79 = arith.constant 0 : index
    %get3A_80 = memref.load %arg1[%get3A_77, %get3A_78, %get3A_79] : memref<2x3x8192xf32, #tpu.memory_space<smem>>
    %swap3A_81 = arith.constant 1 : index
    %swap3A_82 = arith.constant 2 : index
    %swap3A_83 = arith.constant 0 : index
    %swap3A_84 = memref.load %arg2[%swap3A_81, %swap3A_82, %swap3A_83] : memref<2x3x2048xf32, #tpu.memory_space<smem>>
    memref.store %get3A_80, %arg2[%swap3A_81, %swap3A_82, %swap3A_83] : memref<2x3x2048xf32, #tpu.memory_space<smem>>
    %broadcast_in_dim3A = arith.constant 1.000000e+10 : f32
    %broadcast_in_dim3A_85 = vector.broadcast %broadcast_in_dim3A : f32 to vector<64x128xf32>
    %get3A_86 = arith.constant 0 : index
    %get3A_87 = arith.constant 0 : index
    %get3A_88 = arith.constant 0 : index
    %get3A_89 = memref.load %arg1[%get3A_86, %get3A_87, %get3A_88] : memref<2x3x8192xf32, #tpu.memory_space<smem>>
    %get3A_90 = arith.constant 0 : index
    %get3A_91 = arith.constant 1 : index
    %get3A_92 = arith.constant 0 : index
    %get3A_93 = memref.load %arg1[%get3A_90, %get3A_91, %get3A_92] : memref<2x3x8192xf32, #tpu.memory_space<smem>>
    %get3A_94 = arith.constant 0 : index
    %get3A_95 = arith.constant 2 : index
    %get3A_96 = arith.constant 0 : index
    %get3A_97 = memref.load %arg1[%get3A_94, %get3A_95, %get3A_96] : memref<2x3x8192xf32, #tpu.memory_space<smem>>
    %get3A_98 = arith.constant 1 : index
    %get3A_99 = arith.constant 0 : index
    %get3A_100 = arith.constant 0 : index
    %get3A_101 = memref.load %arg1[%get3A_98, %get3A_99, %get3A_100] : memref<2x3x8192xf32, #tpu.memory_space<smem>>
    %get3A_102 = arith.constant 1 : index
    %get3A_103 = arith.constant 1 : index
    %get3A_104 = arith.constant 0 : index
    %get3A_105 = memref.load %arg1[%get3A_102, %get3A_103, %get3A_104] : memref<2x3x8192xf32, #tpu.memory_space<smem>>
    %get3A_106 = arith.constant 1 : index
    %get3A_107 = arith.constant 2 : index
    %get3A_108 = arith.constant 0 : index
    %get3A_109 = memref.load %arg1[%get3A_106, %get3A_107, %get3A_108] : memref<2x3x8192xf32, #tpu.memory_space<smem>>
    %scan3A = arith.constant 3.000000e+10 : f32
    %scan3A_110 = arith.constant 1 : i32
    %scan3A_111 = arith.constant 2047 : i32
    %scan3A_112 = arith.addi %scan3A_110, %scan3A_111 : i32
    %scan3A_113 = arith.constant 1 : i32
    %scan3A_114:8 = scf.for %scan3A_116 = %scan3A_110 to %scan3A_112 step %scan3A_113 iter_args(%scan3A_117 = %broadcast_in_dim3A_85, %scan3A_118 = %broadcast_in_dim3A_85, %scan3A_119 = %get3A_89, %scan3A_120 = %get3A_93, %scan3A_121 = %get3A_97, %scan3A_122 = %get3A_101, %scan3A_123 = %get3A_105, %scan3A_124 = %get3A_109) -> (vector<64x128xf32>, vector<64x128xf32>, f32, f32, f32, f32, f32, f32)  : i32 {
      %sub3A = vector.broadcast %scan3A_119 : f32 to vector<64x128xf32>
      %sub3A_125 = arith.subf %get3A_7, %sub3A : vector<64x128xf32>
      %integer_pow3A = arith.mulf %sub3A_125, %sub3A_125 : vector<64x128xf32>
      %sub3A_126 = vector.broadcast %scan3A_120 : f32 to vector<64x128xf32>
      %sub3A_127 = arith.subf %get3A_13, %sub3A_126 : vector<64x128xf32>
      %integer_pow3A_128 = arith.mulf %sub3A_127, %sub3A_127 : vector<64x128xf32>
      %add3A_129 = arith.addf %integer_pow3A, %integer_pow3A_128 : vector<64x128xf32>
      %sub3A_130 = vector.broadcast %scan3A_121 : f32 to vector<64x128xf32>
      %sub3A_131 = arith.subf %get3A_19, %sub3A_130 : vector<64x128xf32>
      %integer_pow3A_132 = arith.mulf %sub3A_131, %sub3A_131 : vector<64x128xf32>
      %add3A_133 = arith.addf %add3A_129, %integer_pow3A_132 : vector<64x128xf32>
      %min3A = arith.minimumf %scan3A_117, %add3A_133 : vector<64x128xf32>
      %reduce_max3A = vector.shape_cast %min3A : vector<64x128xf32> to vector<1x64x128xf32>
      %reduce_max3A_134 = arith.constant dense<0xFF800000> : vector<1xf32>
      %reduce_max3A_135 = vector.multi_reduction <maximumf>, %reduce_max3A, %reduce_max3A_134 [1, 2] : vector<1x64x128xf32> to vector<1xf32>
      %reduce_max3A_136 = vector.shape_cast %reduce_max3A_135 : vector<1xf32> to vector<1x1x1xf32>
      %reduce_max3A_137 = vector.extract %reduce_max3A_136[0, 0, 0] : f32 from vector<1x1x1xf32>
      %eq3A = vector.broadcast %reduce_max3A_137 : f32 to vector<64x128xf32>
      %eq3A_138 = arith.cmpf oeq, %min3A, %eq3A : vector<64x128xf32>
      %broadcast_in_dim3A_139 = vector.broadcast %scan3A : f32 to vector<64x128xf32>
      %select_n3A = arith.select %eq3A_138, %convert_element_type3A, %broadcast_in_dim3A_139 : vector<64x128xi1>, vector<64x128xf32>
      %reduce_min3A = vector.shape_cast %select_n3A : vector<64x128xf32> to vector<1x64x128xf32>
      %reduce_min3A_140 = arith.constant dense<0x7F800000> : vector<1xf32>
      %reduce_min3A_141 = vector.multi_reduction <minimumf>, %reduce_min3A, %reduce_min3A_140 [1, 2] : vector<1x64x128xf32> to vector<1xf32>
      %reduce_min3A_142 = vector.shape_cast %reduce_min3A_141 : vector<1xf32> to vector<1x1x1xf32>
      %reduce_min3A_143 = vector.extract %reduce_min3A_142[0, 0, 0] : f32 from vector<1x1x1xf32>
      %convert_element_type3A_144 = arith.fptosi %reduce_min3A_143 : f32 to i32
      %get3A_145 = arith.constant 0 : index
      %get3A_146 = arith.constant 0 : index
      %get3A_147 = arith.index_cast %convert_element_type3A_144 : i32 to index
      %get3A_148 = memref.load %arg1[%get3A_145, %get3A_146, %get3A_147] : memref<2x3x8192xf32, #tpu.memory_space<smem>>
      %get3A_149 = arith.constant 0 : index
      %get3A_150 = arith.constant 1 : index
      %get3A_151 = arith.index_cast %convert_element_type3A_144 : i32 to index
      %get3A_152 = memref.load %arg1[%get3A_149, %get3A_150, %get3A_151] : memref<2x3x8192xf32, #tpu.memory_space<smem>>
      %get3A_153 = arith.constant 0 : index
      %get3A_154 = arith.constant 2 : index
      %get3A_155 = arith.index_cast %convert_element_type3A_144 : i32 to index
      %get3A_156 = memref.load %arg1[%get3A_153, %get3A_154, %get3A_155] : memref<2x3x8192xf32, #tpu.memory_space<smem>>
      %swap3A_157 = arith.constant 0 : index
      %swap3A_158 = arith.constant 0 : index
      %swap3A_159 = arith.index_cast %scan3A_116 : i32 to index
      %swap3A_160 = memref.load %arg2[%swap3A_157, %swap3A_158, %swap3A_159] : memref<2x3x2048xf32, #tpu.memory_space<smem>>
      memref.store %get3A_148, %arg2[%swap3A_157, %swap3A_158, %swap3A_159] : memref<2x3x2048xf32, #tpu.memory_space<smem>>
      %swap3A_161 = arith.constant 0 : index
      %swap3A_162 = arith.constant 1 : index
      %swap3A_163 = arith.index_cast %scan3A_116 : i32 to index
      %swap3A_164 = memref.load %arg2[%swap3A_161, %swap3A_162, %swap3A_163] : memref<2x3x2048xf32, #tpu.memory_space<smem>>
      memref.store %get3A_152, %arg2[%swap3A_161, %swap3A_162, %swap3A_163] : memref<2x3x2048xf32, #tpu.memory_space<smem>>
      %swap3A_165 = arith.constant 0 : index
      %swap3A_166 = arith.constant 2 : index
      %swap3A_167 = arith.index_cast %scan3A_116 : i32 to index
      %swap3A_168 = memref.load %arg2[%swap3A_165, %swap3A_166, %swap3A_167] : memref<2x3x2048xf32, #tpu.memory_space<smem>>
      memref.store %get3A_156, %arg2[%swap3A_165, %swap3A_166, %swap3A_167] : memref<2x3x2048xf32, #tpu.memory_space<smem>>
      %sub3A_169 = vector.broadcast %scan3A_122 : f32 to vector<64x128xf32>
      %sub3A_170 = arith.subf %get3A_25, %sub3A_169 : vector<64x128xf32>
      %integer_pow3A_171 = arith.mulf %sub3A_170, %sub3A_170 : vector<64x128xf32>
      %sub3A_172 = vector.broadcast %scan3A_123 : f32 to vector<64x128xf32>
      %sub3A_173 = arith.subf %get3A_31, %sub3A_172 : vector<64x128xf32>
      %integer_pow3A_174 = arith.mulf %sub3A_173, %sub3A_173 : vector<64x128xf32>
      %add3A_175 = arith.addf %integer_pow3A_171, %integer_pow3A_174 : vector<64x128xf32>
      %sub3A_176 = vector.broadcast %scan3A_124 : f32 to vector<64x128xf32>
      %sub3A_177 = arith.subf %get3A_37, %sub3A_176 : vector<64x128xf32>
      %integer_pow3A_178 = arith.mulf %sub3A_177, %sub3A_177 : vector<64x128xf32>
      %add3A_179 = arith.addf %add3A_175, %integer_pow3A_178 : vector<64x128xf32>
      %min3A_180 = arith.minimumf %scan3A_118, %add3A_179 : vector<64x128xf32>
      %reduce_max3A_181 = vector.shape_cast %min3A_180 : vector<64x128xf32> to vector<1x64x128xf32>
      %reduce_max3A_182 = arith.constant dense<0xFF800000> : vector<1xf32>
      %reduce_max3A_183 = vector.multi_reduction <maximumf>, %reduce_max3A_181, %reduce_max3A_182 [1, 2] : vector<1x64x128xf32> to vector<1xf32>
      %reduce_max3A_184 = vector.shape_cast %reduce_max3A_183 : vector<1xf32> to vector<1x1x1xf32>
      %reduce_max3A_185 = vector.extract %reduce_max3A_184[0, 0, 0] : f32 from vector<1x1x1xf32>
      %eq3A_186 = vector.broadcast %reduce_max3A_185 : f32 to vector<64x128xf32>
      %eq3A_187 = arith.cmpf oeq, %min3A_180, %eq3A_186 : vector<64x128xf32>
      %broadcast_in_dim3A_188 = vector.broadcast %scan3A : f32 to vector<64x128xf32>
      %select_n3A_189 = arith.select %eq3A_187, %convert_element_type3A, %broadcast_in_dim3A_188 : vector<64x128xi1>, vector<64x128xf32>
      %reduce_min3A_190 = vector.shape_cast %select_n3A_189 : vector<64x128xf32> to vector<1x64x128xf32>
      %reduce_min3A_191 = arith.constant dense<0x7F800000> : vector<1xf32>
      %reduce_min3A_192 = vector.multi_reduction <minimumf>, %reduce_min3A_190, %reduce_min3A_191 [1, 2] : vector<1x64x128xf32> to vector<1xf32>
      %reduce_min3A_193 = vector.shape_cast %reduce_min3A_192 : vector<1xf32> to vector<1x1x1xf32>
      %reduce_min3A_194 = vector.extract %reduce_min3A_193[0, 0, 0] : f32 from vector<1x1x1xf32>
      %convert_element_type3A_195 = arith.fptosi %reduce_min3A_194 : f32 to i32
      %get3A_196 = arith.constant 1 : index
      %get3A_197 = arith.constant 0 : index
      %get3A_198 = arith.index_cast %convert_element_type3A_195 : i32 to index
      %get3A_199 = memref.load %arg1[%get3A_196, %get3A_197, %get3A_198] : memref<2x3x8192xf32, #tpu.memory_space<smem>>
      %get3A_200 = arith.constant 1 : index
      %get3A_201 = arith.constant 1 : index
      %get3A_202 = arith.index_cast %convert_element_type3A_195 : i32 to index
      %get3A_203 = memref.load %arg1[%get3A_200, %get3A_201, %get3A_202] : memref<2x3x8192xf32, #tpu.memory_space<smem>>
      %get3A_204 = arith.constant 1 : index
      %get3A_205 = arith.constant 2 : index
      %get3A_206 = arith.index_cast %convert_element_type3A_195 : i32 to index
      %get3A_207 = memref.load %arg1[%get3A_204, %get3A_205, %get3A_206] : memref<2x3x8192xf32, #tpu.memory_space<smem>>
      %swap3A_208 = arith.constant 1 : index
      %swap3A_209 = arith.constant 0 : index
      %swap3A_210 = arith.index_cast %scan3A_116 : i32 to index
      %swap3A_211 = memref.load %arg2[%swap3A_208, %swap3A_209, %swap3A_210] : memref<2x3x2048xf32, #tpu.memory_space<smem>>
      memref.store %get3A_199, %arg2[%swap3A_208, %swap3A_209, %swap3A_210] : memref<2x3x2048xf32, #tpu.memory_space<smem>>
      %swap3A_212 = arith.constant 1 : index
      %swap3A_213 = arith.constant 1 : index
      %swap3A_214 = arith.index_cast %scan3A_116 : i32 to index
      %swap3A_215 = memref.load %arg2[%swap3A_212, %swap3A_213, %swap3A_214] : memref<2x3x2048xf32, #tpu.memory_space<smem>>
      memref.store %get3A_203, %arg2[%swap3A_212, %swap3A_213, %swap3A_214] : memref<2x3x2048xf32, #tpu.memory_space<smem>>
      %swap3A_216 = arith.constant 1 : index
      %swap3A_217 = arith.constant 2 : index
      %swap3A_218 = arith.index_cast %scan3A_116 : i32 to index
      %swap3A_219 = memref.load %arg2[%swap3A_216, %swap3A_217, %swap3A_218] : memref<2x3x2048xf32, #tpu.memory_space<smem>>
      memref.store %get3A_207, %arg2[%swap3A_216, %swap3A_217, %swap3A_218] : memref<2x3x2048xf32, #tpu.memory_space<smem>>
      scf.yield %min3A, %min3A_180, %get3A_148, %get3A_152, %get3A_156, %get3A_199, %get3A_203, %get3A_207 : vector<64x128xf32>, vector<64x128xf32>, f32, f32, f32, f32, f32, f32
    }
    %scan3A_115 = arith.constant 2047 : i32
    return
  }
}

module attributes {stable_mosaic.version = 14 : i64} {
  func.func @_bq_body(%arg0: i32, %arg1: i32, %arg2: memref<1x256x3xf32, #tpu.memory_space<vmem>>, %arg3: memref<1x3x8192xf32, #tpu.memory_space<vmem>>, %arg4: memref<1x8192x3xf32, #tpu.memory_space<vmem>>, %arg5: memref<3x16xf32, #tpu.memory_space<vmem>>, %arg6: memref<16x16xf32, #tpu.memory_space<vmem>>, %arg7: memref<3x32xf32, #tpu.memory_space<vmem>>, %arg8: memref<32x32xf32, #tpu.memory_space<vmem>>, %arg9: memref<1x256x16xf32, #tpu.memory_space<vmem>>, %arg10: memref<1x256x32xf32, #tpu.memory_space<vmem>>, %arg11: memref<256x8192xf32, #tpu.memory_space<vmem>>) attributes {dimension_semantics = [#tpu.dimension_semantics<arbitrary>, #tpu.dimension_semantics<arbitrary>], iteration_bounds = array<i64: 2, 8>, scalar_prefetch = 0 : i64, scratch_operands = 1 : i64, tpu.core_type = #tpu.core_type<tc>, window_params = [{transform_indices = @transform_0, window_bounds = array<i64: 1, 256, 3>}, {transform_indices = @transform_1, window_bounds = array<i64: 1, 3, 8192>}, {transform_indices = @transform_2, window_bounds = array<i64: 1, 8192, 3>}, {pipeline_mode = #tpu.pipeline_mode<synchronous>, transform_indices = @transform_3, window_bounds = array<i64: 3, 16>}, {pipeline_mode = #tpu.pipeline_mode<synchronous>, transform_indices = @transform_4, window_bounds = array<i64: 16, 16>}, {pipeline_mode = #tpu.pipeline_mode<synchronous>, transform_indices = @transform_5, window_bounds = array<i64: 3, 32>}, {pipeline_mode = #tpu.pipeline_mode<synchronous>, transform_indices = @transform_6, window_bounds = array<i64: 32, 32>}, {transform_indices = @transform_7, window_bounds = array<i64: 1, 256, 16>}, {transform_indices = @transform_8, window_bounds = array<i64: 1, 256, 32>}]} {
    %get3A = arith.constant 0 : index
    %get3A_0 = arith.constant 0 : index
    %get3A_1 = arith.constant 0 : index
    %get3A_2 = vector.load %arg2[%get3A, %get3A_0, %get3A_1] : memref<1x256x3xf32, #tpu.memory_space<vmem>>, vector<1x256x3xf32>
    %get3A_3 = vector.shape_cast %get3A_2 : vector<1x256x3xf32> to vector<256x3xf32>
    %get3A_4 = arith.constant 0 : index
    %get3A_5 = arith.constant 0 : index
    %get3A_6 = arith.constant 0 : index
    %get3A_7 = vector.load %arg3[%get3A_4, %get3A_5, %get3A_6] : memref<1x3x8192xf32, #tpu.memory_space<vmem>>, vector<1x3x8192xf32>
    %get3A_8 = vector.shape_cast %get3A_7 : vector<1x3x8192xf32> to vector<3x8192xf32>
    %get3A_9 = arith.constant 0 : index
    %get3A_10 = arith.constant 0 : index
    %get3A_11 = arith.constant 0 : index
    %get3A_12 = vector.load %arg4[%get3A_9, %get3A_10, %get3A_11] : memref<1x8192x3xf32, #tpu.memory_space<vmem>>, vector<1x8192x3xf32>
    %get3A_13 = vector.shape_cast %get3A_12 : vector<1x8192x3xf32> to vector<8192x3xf32>
    %mul3A = arith.mulf %get3A_3, %get3A_3 : vector<256x3xf32>
    %reduce_sum3A = arith.constant dense<0.000000e+00> : vector<256xf32>
    %reduce_sum3A_14 = vector.multi_reduction <add>, %mul3A, %reduce_sum3A [1] : vector<256x3xf32> to vector<256xf32>
    %broadcast_in_dim3A = vector.shape_cast %reduce_sum3A_14 : vector<256xf32> to vector<256x1xf32>
    %mul3A_15 = arith.mulf %get3A_8, %get3A_8 : vector<3x8192xf32>
    %reduce_sum3A_16 = arith.constant dense<0.000000e+00> : vector<8192xf32>
    %reduce_sum3A_17 = vector.multi_reduction <add>, %mul3A_15, %reduce_sum3A_16 [0] : vector<3x8192xf32> to vector<8192xf32>
    %broadcast_in_dim3A_18 = vector.shape_cast %reduce_sum3A_17 : vector<8192xf32> to vector<1x8192xf32>
    %dot_general3A = arith.constant dense<0.000000e+00> : vector<256x8192xf32>
    %dot_general3A_19 = tpu.matmul %get3A_3, %get3A_8, %dot_general3A {dimension_numbers = #tpu.dot_dimension_numbers<[1], [0], [0], [1], [0, 0, 1, 1], [], []>, transpose_lhs_hint = false} : vector<256x3xf32>, vector<3x8192xf32>, vector<256x8192xf32> -> vector<256x8192xf32>
    %add3A = vector.broadcast %broadcast_in_dim3A : vector<256x1xf32> to vector<256x8192xf32>
    %add3A_20 = vector.broadcast %broadcast_in_dim3A_18 : vector<1x8192xf32> to vector<256x8192xf32>
    %add3A_21 = arith.addf %add3A, %add3A_20 : vector<256x8192xf32>
    %mul3A_22 = arith.constant 2.000000e+00 : f32
    %mul3A_23 = vector.broadcast %mul3A_22 : f32 to vector<256x8192xf32>
    %mul3A_24 = arith.mulf %mul3A_23, %dot_general3A_19 : vector<256x8192xf32>
    %sub3A = arith.subf %add3A_21, %mul3A_24 : vector<256x8192xf32>
    %max3A = arith.constant 0.000000e+00 : f32
    %max3A_25 = vector.broadcast %max3A : f32 to vector<256x8192xf32>
    %max3A_26 = arith.maximumf %sub3A, %max3A_25 : vector<256x8192xf32>
    %swap3A = arith.constant 0 : index
    %swap3A_27 = arith.constant 0 : index
    %swap3A_28 = vector.load %arg11[%swap3A, %swap3A_27] : memref<256x8192xf32, #tpu.memory_space<vmem>>, vector<256x8192xf32>
    tpu.vector_store %arg11[%swap3A, %swap3A_27], %max3A_26 {strides = array<i32>} : memref<256x8192xf32, #tpu.memory_space<vmem>>, vector<256x8192xf32>,
    %get3A_29 = arith.constant 0 : index
    %get3A_30 = arith.constant 0 : index
    %get3A_31 = vector.load %arg5[%get3A_29, %get3A_30] : memref<3x16xf32, #tpu.memory_space<vmem>>, vector<3x16xf32>
    %get3A_32 = arith.constant 0 : index
    %get3A_33 = arith.constant 0 : index
    %get3A_34 = vector.load %arg6[%get3A_32, %get3A_33] : memref<16x16xf32, #tpu.memory_space<vmem>>, vector<16x16xf32>
    %get3A_35 = arith.constant 0 : index
    %get3A_36 = arith.constant 0 : index
    %get3A_37 = vector.load %arg7[%get3A_35, %get3A_36] : memref<3x32xf32, #tpu.memory_space<vmem>>, vector<3x32xf32>
    %get3A_38 = arith.constant 0 : index
    %get3A_39 = arith.constant 0 : index
    %get3A_40 = vector.load %arg8[%get3A_38, %get3A_39] : memref<32x32xf32, #tpu.memory_space<vmem>>, vector<32x32xf32>
    %broadcast_in_dim3A_41 = arith.constant 0.000000e+00 : f32
    %broadcast_in_dim3A_42 = vector.broadcast %broadcast_in_dim3A_41 : f32 to vector<256x16xf32>
    %broadcast_in_dim3A_43 = arith.constant 0.000000e+00 : f32
    %broadcast_in_dim3A_44 = vector.broadcast %broadcast_in_dim3A_43 : f32 to vector<256x32xf32>
    %scan3A = arith.constant 3.000000e+10 : f32
    %scan3A_45 = arith.constant 0 : i32
    %scan3A_46 = arith.constant 32 : i32
    %scan3A_47 = arith.addi %scan3A_45, %scan3A_46 : i32
    %scan3A_48 = arith.constant 1 : i32
    %scan3A_49:2 = scf.for %scan3A_63 = %scan3A_45 to %scan3A_47 step %scan3A_48 iter_args(%scan3A_64 = %broadcast_in_dim3A_42, %scan3A_65 = %broadcast_in_dim3A_44) -> (vector<256x16xf32>, vector<256x32xf32>)  : i32 {
      %get3A_66 = arith.constant 0 : index
      %get3A_67 = arith.constant 0 : index
      %get3A_68 = vector.load %arg11[%get3A_66, %get3A_67] : memref<256x8192xf32, #tpu.memory_space<vmem>>, vector<256x8192xf32>
      %reduce_min3A = arith.constant dense<0x7F800000> : vector<256xf32>
      %reduce_min3A_69 = vector.multi_reduction <minimumf>, %get3A_68, %reduce_min3A [1] : vector<256x8192xf32> to vector<256xf32>
      %broadcast_in_dim3A_70 = vector.shape_cast %reduce_min3A_69 : vector<256xf32> to vector<256x1xf32>
      %iota3A = tpu.iota {dimensions = array<i32: 1>} : vector<256x8192xi32>
      %convert_element_type3A = arith.sitofp %iota3A : vector<256x8192xi32> to vector<256x8192xf32>
      %eq3A = vector.broadcast %broadcast_in_dim3A_70 : vector<256x1xf32> to vector<256x8192xf32>
      %eq3A_71 = arith.cmpf oeq, %get3A_68, %eq3A : vector<256x8192xf32>
      %broadcast_in_dim3A_72 = vector.broadcast %scan3A : f32 to vector<256x8192xf32>
      %select_n3A = arith.select %eq3A_71, %convert_element_type3A, %broadcast_in_dim3A_72 : vector<256x8192xi1>, vector<256x8192xf32>
      %reduce_min3A_73 = arith.constant dense<0x7F800000> : vector<256xf32>
      %reduce_min3A_74 = vector.multi_reduction <minimumf>, %select_n3A, %reduce_min3A_73 [1] : vector<256x8192xf32> to vector<256xf32>
      %broadcast_in_dim3A_75 = vector.shape_cast %reduce_min3A_74 : vector<256xf32> to vector<256x1xf32>
      %eq3A_76 = vector.broadcast %broadcast_in_dim3A_75 : vector<256x1xf32> to vector<256x8192xf32>
      %eq3A_77 = arith.cmpf oeq, %select_n3A, %eq3A_76 : vector<256x8192xf32>
      %convert_element_type3A_78 = arith.extui %eq3A_77 : vector<256x8192xi1> to vector<256x8192xi32>
      %convert_element_type3A_79 = arith.sitofp %convert_element_type3A_78 : vector<256x8192xi32> to vector<256x8192xf32>
      %dot_general3A_80 = arith.constant dense<0.000000e+00> : vector<256x3xf32>
      %dot_general3A_81 = tpu.matmul %convert_element_type3A_79, %get3A_13, %dot_general3A_80 {dimension_numbers = #tpu.dot_dimension_numbers<[1], [0], [0], [1], [0, 0, 1, 1], [], []>, transpose_lhs_hint = false} : vector<256x8192xf32>, vector<8192x3xf32>, vector<256x3xf32> -> vector<256x3xf32>
      %sub3A_82 = arith.subf %dot_general3A_81, %get3A_3 : vector<256x3xf32>
      %dot_general3A_83 = arith.constant dense<0.000000e+00> : vector<256x16xf32>
      %dot_general3A_84 = tpu.matmul %sub3A_82, %get3A_31, %dot_general3A_83 {dimension_numbers = #tpu.dot_dimension_numbers<[1], [0], [0], [1], [0, 0, 1, 1], [], []>, transpose_lhs_hint = false} : vector<256x3xf32>, vector<3x16xf32>, vector<256x16xf32> -> vector<256x16xf32>
      %max3A_85 = arith.constant 0.000000e+00 : f32
      %max3A_86 = vector.broadcast %max3A_85 : f32 to vector<256x16xf32>
      %max3A_87 = arith.maximumf %dot_general3A_84, %max3A_86 : vector<256x16xf32>
      %dot_general3A_88 = arith.constant dense<0.000000e+00> : vector<256x16xf32>
      %dot_general3A_89 = tpu.matmul %max3A_87, %get3A_34, %dot_general3A_88 {dimension_numbers = #tpu.dot_dimension_numbers<[1], [0], [0], [1], [0, 0, 1, 1], [], []>, transpose_lhs_hint = false} : vector<256x16xf32>, vector<16x16xf32>, vector<256x16xf32> -> vector<256x16xf32>
      %max3A_90 = arith.constant 0.000000e+00 : f32
      %max3A_91 = vector.broadcast %max3A_90 : f32 to vector<256x16xf32>
      %max3A_92 = arith.maximumf %dot_general3A_89, %max3A_91 : vector<256x16xf32>
      %dot_general3A_93 = arith.constant dense<0.000000e+00> : vector<256x32xf32>
      %dot_general3A_94 = tpu.matmul %sub3A_82, %get3A_37, %dot_general3A_93 {dimension_numbers = #tpu.dot_dimension_numbers<[1], [0], [0], [1], [0, 0, 1, 1], [], []>, transpose_lhs_hint = false} : vector<256x3xf32>, vector<3x32xf32>, vector<256x32xf32> -> vector<256x32xf32>
      %max3A_95 = arith.constant 0.000000e+00 : f32
      %max3A_96 = vector.broadcast %max3A_95 : f32 to vector<256x32xf32>
      %max3A_97 = arith.maximumf %dot_general3A_94, %max3A_96 : vector<256x32xf32>
      %dot_general3A_98 = arith.constant dense<0.000000e+00> : vector<256x32xf32>
      %dot_general3A_99 = tpu.matmul %max3A_97, %get3A_40, %dot_general3A_98 {dimension_numbers = #tpu.dot_dimension_numbers<[1], [0], [0], [1], [0, 0, 1, 1], [], []>, transpose_lhs_hint = false} : vector<256x32xf32>, vector<32x32xf32>, vector<256x32xf32> -> vector<256x32xf32>
      %max3A_100 = arith.constant 0.000000e+00 : f32
      %max3A_101 = vector.broadcast %max3A_100 : f32 to vector<256x32xf32>
      %max3A_102 = arith.maximumf %dot_general3A_99, %max3A_101 : vector<256x32xf32>
      %le3A = arith.constant 1.600000e+01 : f32
      %le3A_103 = vector.broadcast %le3A : f32 to vector<256x1xf32>
      %le3A_104 = arith.cmpf ole, %broadcast_in_dim3A_70, %le3A_103 : vector<256x1xf32>
      %lt3A = arith.constant 16 : i32
      %lt3A_105 = arith.cmpi slt, %scan3A_63, %lt3A : i32
      %and3A = vector.broadcast %lt3A_105 : i1 to vector<256x1xi1>
      %and3A_106 = arith.andi %le3A_104, %and3A : vector<256x1xi1>
      %max3A_107 = arith.maximumf %scan3A_64, %max3A_92 : vector<256x16xf32>
      %broadcast_in_dim3A_108 = vector.shape_cast %and3A_106 : vector<256x1xi1> to vector<256x1xi1>
      %broadcast_in_dim3A_109 = vector.broadcast %broadcast_in_dim3A_108 : vector<256x1xi1> to vector<256x16xi1>
      %select_n3A_110 = arith.select %broadcast_in_dim3A_109, %max3A_107, %scan3A_64 : vector<256x16xi1>, vector<256x16xf32>
      %le3A_111 = arith.constant 6.400000e+01 : f32
      %le3A_112 = vector.broadcast %le3A_111 : f32 to vector<256x1xf32>
      %le3A_113 = arith.cmpf ole, %broadcast_in_dim3A_70, %le3A_112 : vector<256x1xf32>
      %max3A_114 = arith.maximumf %scan3A_65, %max3A_102 : vector<256x32xf32>
      %broadcast_in_dim3A_115 = vector.shape_cast %le3A_113 : vector<256x1xi1> to vector<256x1xi1>
      %broadcast_in_dim3A_116 = vector.broadcast %broadcast_in_dim3A_115 : vector<256x1xi1> to vector<256x32xi1>
      %select_n3A_117 = arith.select %broadcast_in_dim3A_116, %max3A_114, %scan3A_65 : vector<256x32xi1>, vector<256x32xf32>
      %mul3A_118 = arith.constant 1.000000e+10 : f32
      %mul3A_119 = vector.broadcast %mul3A_118 : f32 to vector<256x8192xf32>
      %mul3A_120 = arith.mulf %convert_element_type3A_79, %mul3A_119 : vector<256x8192xf32>
      %add3A_121 = arith.addf %get3A_68, %mul3A_120 : vector<256x8192xf32>
      %swap3A_122 = arith.constant 0 : index
      %swap3A_123 = arith.constant 0 : index
      %swap3A_124 = vector.load %arg11[%swap3A_122, %swap3A_123] : memref<256x8192xf32, #tpu.memory_space<vmem>>, vector<256x8192xf32>
      tpu.vector_store %arg11[%swap3A_122, %swap3A_123], %add3A_121 {strides = array<i32>} : memref<256x8192xf32, #tpu.memory_space<vmem>>, vector<256x8192xf32>,
      scf.yield %select_n3A_110, %select_n3A_117 : vector<256x16xf32>, vector<256x32xf32>
    }
    %scan3A_50 = arith.constant 32 : i32
    %swap3A_51 = arith.constant 0 : index
    %swap3A_52 = arith.constant 0 : index
    %swap3A_53 = arith.constant 0 : index
    %swap3A_54 = vector.load %arg9[%swap3A_51, %swap3A_52, %swap3A_53] : memref<1x256x16xf32, #tpu.memory_space<vmem>>, vector<1x256x16xf32>
    %swap3A_55 = vector.shape_cast %swap3A_54 : vector<1x256x16xf32> to vector<256x16xf32>
    %swap3A_56 = vector.shape_cast %scan3A_49#0 : vector<256x16xf32> to vector<1x256x16xf32>
    tpu.vector_store %arg9[%swap3A_51, %swap3A_52, %swap3A_53], %swap3A_56 {strides = array<i32>} : memref<1x256x16xf32, #tpu.memory_space<vmem>>, vector<1x256x16xf32>,
    %swap3A_57 = arith.constant 0 : index
    %swap3A_58 = arith.constant 0 : index
    %swap3A_59 = arith.constant 0 : index
    %swap3A_60 = vector.load %arg10[%swap3A_57, %swap3A_58, %swap3A_59] : memref<1x256x32xf32, #tpu.memory_space<vmem>>, vector<1x256x32xf32>
    %swap3A_61 = vector.shape_cast %swap3A_60 : vector<1x256x32xf32> to vector<256x32xf32>
    %swap3A_62 = vector.shape_cast %scan3A_49#1 : vector<256x32xf32> to vector<1x256x32xf32>
    tpu.vector_store %arg10[%swap3A_57, %swap3A_58, %swap3A_59], %swap3A_62 {strides = array<i32>} : memref<1x256x32xf32, #tpu.memory_space<vmem>>, vector<1x256x32xf32>,
    return
  }
  func.func @transform_0(%arg0: i32, %arg1: i32) -> (i32, i32, i32) {
    %c0_i32 = arith.constant 0 : i32
    %c0_i32_0 = arith.constant 0 : i32
    return %arg0, %arg1, %c0_i32 : i32, i32, i32
  }
  func.func @transform_1(%arg0: i32, %arg1: i32) -> (i32, i32, i32) {
    %c0_i32 = arith.constant 0 : i32
    %c0_i32_0 = arith.constant 0 : i32
    %c0_i32_1 = arith.constant 0 : i32
    return %arg0, %c0_i32, %c0_i32_0 : i32, i32, i32
  }
  func.func @transform_2(%arg0: i32, %arg1: i32) -> (i32, i32, i32) {
    %c0_i32 = arith.constant 0 : i32
    %c0_i32_0 = arith.constant 0 : i32
    %c0_i32_1 = arith.constant 0 : i32
    return %arg0, %c0_i32, %c0_i32_0 : i32, i32, i32
  }
  func.func @transform_3(%arg0: i32, %arg1: i32) -> (i32, i32) {
    %c0_i32 = arith.constant 0 : i32
    %c0_i32_0 = arith.constant 0 : i32
    %c0_i32_1 = arith.constant 0 : i32
    return %c0_i32, %c0_i32_0 : i32, i32
  }
  func.func @transform_4(%arg0: i32, %arg1: i32) -> (i32, i32) {
    %c0_i32 = arith.constant 0 : i32
    %c0_i32_0 = arith.constant 0 : i32
    %c0_i32_1 = arith.constant 0 : i32
    return %c0_i32, %c0_i32_0 : i32, i32
  }
  func.func @transform_5(%arg0: i32, %arg1: i32) -> (i32, i32) {
    %c0_i32 = arith.constant 0 : i32
    %c0_i32_0 = arith.constant 0 : i32
    %c0_i32_1 = arith.constant 0 : i32
    return %c0_i32, %c0_i32_0 : i32, i32
  }
  func.func @transform_6(%arg0: i32, %arg1: i32) -> (i32, i32) {
    %c0_i32 = arith.constant 0 : i32
    %c0_i32_0 = arith.constant 0 : i32
    %c0_i32_1 = arith.constant 0 : i32
    return %c0_i32, %c0_i32_0 : i32, i32
  }
  func.func @transform_7(%arg0: i32, %arg1: i32) -> (i32, i32, i32) {
    %c0_i32 = arith.constant 0 : i32
    %c0_i32_0 = arith.constant 0 : i32
    return %arg0, %arg1, %c0_i32 : i32, i32, i32
  }
  func.func @transform_8(%arg0: i32, %arg1: i32) -> (i32, i32, i32) {
    %c0_i32 = arith.constant 0 : i32
    %c0_i32_0 = arith.constant 0 : i32
    return %arg0, %arg1, %c0_i32 : i32, i32, i32
  }
}

module attributes {stable_mosaic.version = 14 : i64} {
  func.func @_fuse_body(%arg0: memref<4x4096x256xf32, #tpu.memory_space<vmem>>, %arg1: memref<4x4096x1xf32, #tpu.memory_space<vmem>>, %arg2: memref<4096x16xf32, #tpu.memory_space<vmem>>, %arg3: memref<4096x32xf32, #tpu.memory_space<vmem>>, %arg4: memref<304x128xf32, #tpu.memory_space<vmem>>, %arg5: memref<1x128xf32, #tpu.memory_space<vmem>>, %arg6: memref<1x128xf32, #tpu.memory_space<vmem>>, %arg7: memref<4096x128xf32, #tpu.memory_space<vmem>>) attributes {dimension_semantics = [], scalar_prefetch = 0 : i64, scratch_operands = 0 : i64, tpu.core_type = #tpu.core_type<tc>} {
    %get3A = arith.constant 0 : index
    %get3A_0 = arith.constant 0 : index
    %get3A_1 = arith.constant 0 : index
    %get3A_2 = vector.load %arg0[%get3A, %get3A_0, %get3A_1] : memref<4x4096x256xf32, #tpu.memory_space<vmem>>, vector<1x4096x256xf32>
    %get3A_3 = vector.shape_cast %get3A_2 : vector<1x4096x256xf32> to vector<4096x256xf32>
    %get3A_4 = arith.constant 0 : index
    %get3A_5 = arith.constant 0 : index
    %get3A_6 = arith.constant 0 : index
    %get3A_7 = vector.load %arg1[%get3A_4, %get3A_5, %get3A_6] : memref<4x4096x1xf32, #tpu.memory_space<vmem>>, vector<1x4096x1xf32>
    %get3A_8 = vector.shape_cast %get3A_7 : vector<1x4096x1xf32> to vector<4096x1xf32>
    %mul3A = vector.broadcast %get3A_8 : vector<4096x1xf32> to vector<4096x256xf32>
    %mul3A_9 = arith.mulf %get3A_3, %mul3A : vector<4096x256xf32>
    %get3A_10 = arith.constant 1 : index
    %get3A_11 = arith.constant 0 : index
    %get3A_12 = arith.constant 0 : index
    %get3A_13 = vector.load %arg0[%get3A_10, %get3A_11, %get3A_12] : memref<4x4096x256xf32, #tpu.memory_space<vmem>>, vector<1x4096x256xf32>
    %get3A_14 = vector.shape_cast %get3A_13 : vector<1x4096x256xf32> to vector<4096x256xf32>
    %get3A_15 = arith.constant 1 : index
    %get3A_16 = arith.constant 0 : index
    %get3A_17 = arith.constant 0 : index
    %get3A_18 = vector.load %arg1[%get3A_15, %get3A_16, %get3A_17] : memref<4x4096x1xf32, #tpu.memory_space<vmem>>, vector<1x4096x1xf32>
    %get3A_19 = vector.shape_cast %get3A_18 : vector<1x4096x1xf32> to vector<4096x1xf32>
    %mul3A_20 = vector.broadcast %get3A_19 : vector<4096x1xf32> to vector<4096x256xf32>
    %mul3A_21 = arith.mulf %get3A_14, %mul3A_20 : vector<4096x256xf32>
    %add3A = arith.addf %mul3A_9, %mul3A_21 : vector<4096x256xf32>
    %get3A_22 = arith.constant 2 : index
    %get3A_23 = arith.constant 0 : index
    %get3A_24 = arith.constant 0 : index
    %get3A_25 = vector.load %arg0[%get3A_22, %get3A_23, %get3A_24] : memref<4x4096x256xf32, #tpu.memory_space<vmem>>, vector<1x4096x256xf32>
    %get3A_26 = vector.shape_cast %get3A_25 : vector<1x4096x256xf32> to vector<4096x256xf32>
    %get3A_27 = arith.constant 2 : index
    %get3A_28 = arith.constant 0 : index
    %get3A_29 = arith.constant 0 : index
    %get3A_30 = vector.load %arg1[%get3A_27, %get3A_28, %get3A_29] : memref<4x4096x1xf32, #tpu.memory_space<vmem>>, vector<1x4096x1xf32>
    %get3A_31 = vector.shape_cast %get3A_30 : vector<1x4096x1xf32> to vector<4096x1xf32>
    %mul3A_32 = vector.broadcast %get3A_31 : vector<4096x1xf32> to vector<4096x256xf32>
    %mul3A_33 = arith.mulf %get3A_26, %mul3A_32 : vector<4096x256xf32>
    %add3A_34 = arith.addf %add3A, %mul3A_33 : vector<4096x256xf32>
    %get3A_35 = arith.constant 3 : index
    %get3A_36 = arith.constant 0 : index
    %get3A_37 = arith.constant 0 : index
    %get3A_38 = vector.load %arg0[%get3A_35, %get3A_36, %get3A_37] : memref<4x4096x256xf32, #tpu.memory_space<vmem>>, vector<1x4096x256xf32>
    %get3A_39 = vector.shape_cast %get3A_38 : vector<1x4096x256xf32> to vector<4096x256xf32>
    %get3A_40 = arith.constant 3 : index
    %get3A_41 = arith.constant 0 : index
    %get3A_42 = arith.constant 0 : index
    %get3A_43 = vector.load %arg1[%get3A_40, %get3A_41, %get3A_42] : memref<4x4096x1xf32, #tpu.memory_space<vmem>>, vector<1x4096x1xf32>
    %get3A_44 = vector.shape_cast %get3A_43 : vector<1x4096x1xf32> to vector<4096x1xf32>
    %mul3A_45 = vector.broadcast %get3A_44 : vector<4096x1xf32> to vector<4096x256xf32>
    %mul3A_46 = arith.mulf %get3A_39, %mul3A_45 : vector<4096x256xf32>
    %add3A_47 = arith.addf %add3A_34, %mul3A_46 : vector<4096x256xf32>
    %get3A_48 = arith.constant 0 : index
    %get3A_49 = arith.constant 0 : index
    %get3A_50 = vector.load %arg2[%get3A_48, %get3A_49] : memref<4096x16xf32, #tpu.memory_space<vmem>>, vector<4096x16xf32>
    %get3A_51 = arith.constant 0 : index
    %get3A_52 = arith.constant 0 : index
    %get3A_53 = vector.load %arg3[%get3A_51, %get3A_52] : memref<4096x32xf32, #tpu.memory_space<vmem>>, vector<4096x32xf32>
    %concatenate3A = tpu.concatenate %add3A_47, %get3A_50, %get3A_53 in 1 : vector<4096x256xf32>, vector<4096x16xf32>, vector<4096x32xf32> -> vector<4096x304xf32>
    %get3A_54 = arith.constant 0 : index
    %get3A_55 = arith.constant 0 : index
    %get3A_56 = vector.load %arg4[%get3A_54, %get3A_55] : memref<304x128xf32, #tpu.memory_space<vmem>>, vector<304x128xf32>
    %dot_general3A = arith.constant dense<0.000000e+00> : vector<4096x128xf32>
    %dot_general3A_57 = tpu.matmul %concatenate3A, %get3A_56, %dot_general3A {dimension_numbers = #tpu.dot_dimension_numbers<[1], [0], [0], [1], [0, 0, 1, 1], [], []>, transpose_lhs_hint = false} : vector<4096x304xf32>, vector<304x128xf32>, vector<4096x128xf32> -> vector<4096x128xf32>
    %reduce_sum3A = arith.constant dense<0.000000e+00> : vector<128xf32>
    %reduce_sum3A_58 = vector.multi_reduction <add>, %dot_general3A_57, %reduce_sum3A [0] : vector<4096x128xf32> to vector<128xf32>
    %broadcast_in_dim3A = vector.shape_cast %reduce_sum3A_58 : vector<128xf32> to vector<1x128xf32>
    %div3A = arith.constant 4.096000e+03 : f32
    %div3A_59 = vector.broadcast %div3A : f32 to vector<1x128xf32>
    %div3A_60 = arith.divf %broadcast_in_dim3A, %div3A_59 : vector<1x128xf32>
    %sub3A = vector.broadcast %div3A_60 : vector<1x128xf32> to vector<4096x128xf32>
    %sub3A_61 = arith.subf %dot_general3A_57, %sub3A : vector<4096x128xf32>
    %integer_pow3A = arith.mulf %sub3A_61, %sub3A_61 : vector<4096x128xf32>
    %reduce_sum3A_62 = arith.constant dense<0.000000e+00> : vector<128xf32>
    %reduce_sum3A_63 = vector.multi_reduction <add>, %integer_pow3A, %reduce_sum3A_62 [0] : vector<4096x128xf32> to vector<128xf32>
    %broadcast_in_dim3A_64 = vector.shape_cast %reduce_sum3A_63 : vector<128xf32> to vector<1x128xf32>
    %div3A_65 = arith.constant 4.096000e+03 : f32
    %div3A_66 = vector.broadcast %div3A_65 : f32 to vector<1x128xf32>
    %div3A_67 = arith.divf %broadcast_in_dim3A_64, %div3A_66 : vector<1x128xf32>
    %sub3A_68 = vector.broadcast %div3A_60 : vector<1x128xf32> to vector<4096x128xf32>
    %sub3A_69 = arith.subf %dot_general3A_57, %sub3A_68 : vector<4096x128xf32>
    %add3A_70 = arith.constant 9.99999974E-6 : f32
    %add3A_71 = vector.broadcast %add3A_70 : f32 to vector<1x128xf32>
    %add3A_72 = arith.addf %div3A_67, %add3A_71 : vector<1x128xf32>
    %sqrt3A = math.sqrt %add3A_72 : vector<1x128xf32>
    %div3A_73 = vector.broadcast %sqrt3A : vector<1x128xf32> to vector<4096x128xf32>
    %div3A_74 = arith.divf %sub3A_69, %div3A_73 : vector<4096x128xf32>
    %get3A_75 = arith.constant 0 : index
    %get3A_76 = arith.constant 0 : index
    %get3A_77 = vector.load %arg5[%get3A_75, %get3A_76] : memref<1x128xf32, #tpu.memory_space<vmem>>, vector<1x128xf32>
    %mul3A_78 = vector.broadcast %get3A_77 : vector<1x128xf32> to vector<4096x128xf32>
    %mul3A_79 = arith.mulf %div3A_74, %mul3A_78 : vector<4096x128xf32>
    %get3A_80 = arith.constant 0 : index
    %get3A_81 = arith.constant 0 : index
    %get3A_82 = vector.load %arg6[%get3A_80, %get3A_81] : memref<1x128xf32, #tpu.memory_space<vmem>>, vector<1x128xf32>
    %add3A_83 = vector.broadcast %get3A_82 : vector<1x128xf32> to vector<4096x128xf32>
    %add3A_84 = arith.addf %mul3A_79, %add3A_83 : vector<4096x128xf32>
    %max3A = arith.constant 0.000000e+00 : f32
    %max3A_85 = vector.broadcast %max3A : f32 to vector<4096x128xf32>
    %max3A_86 = arith.maximumf %add3A_84, %max3A_85 : vector<4096x128xf32>
    %swap3A = arith.constant 0 : index
    %swap3A_87 = arith.constant 0 : index
    %swap3A_88 = vector.load %arg7[%swap3A, %swap3A_87] : memref<4096x128xf32, #tpu.memory_space<vmem>>, vector<4096x128xf32>
    tpu.vector_store %arg7[%swap3A, %swap3A_87], %max3A_86 {strides = array<i32>} : memref<4096x128xf32, #tpu.memory_space<vmem>>, vector<4096x128xf32>,
    return
  }
}

</mosaic_0001>

<sc_bundles>
// kernel: kernel.6.cloned.1.call-start
scs
__scs_entry_jumppad:
0x0: {  	(pc) =	sbr.rel $0x88, $3  }
0x1: {  	(tag) =	ssettag $0x0;
	lr =	simm.s32 $0x1  }
0x2: {  	[smem:$0x3F98] =	sst lr;
	_ =	strace $0xD0000000  }
0x3: {  	_ = 	snop  }
0x4: {  	_ = 	snop  }
0x5: {  	_ = 	snop  }
0x6: {  	_ = 	snop  }
0x7: {  	_ = 	snop  }
__scs_overlays_trampoline_lowered:
0x8: {  	[smem:$0x3FA7] =	sst s0  }
0x9: {  	[smem:$0x3FA8] =	sst s1  }
0xa: {  	[smem:$0x3FA9] =	sst s2  }
0xb: {  	[smem:$0x3FAA] =	sst s3  }
0xc: {  	[smem:$0x3FAB] =	sst s4  }
0xd: {  	[smem:$0x3FAC] =	sst s5  }
0xe: {  	[smem:$0x3FAD] =	sst s6  }
0xf: {  	[smem:$0x3FAE] =	sst s7  }
0x10: {  	[smem:$0x3FAF] =	sst s8  }
0x11: {  	[smem:$0x3FB0] =	sst s9;
	s0 =	simm.s32 @!p0 $0x0  }
0x12: {  	s1 =	sld [smem:$0x3F96];
	s0 =	simm.s32 @p0 $0x1  }
0x13: {  	[smem:$0x3FB1] =	sst s0;
	s0 =	simm.s32 @!p1 $0x0  }
0x14: {  	s2 =	sld [smem:$0x3F95];
	s0 =	simm.s32 @p1 $0x1  }
0x15: {  	[smem:$0x3FB2] =	sst s0;
	s0 =	simm.s32 @!p2 $0x0  }
0x16: {  	s3 =	sld [smem:$0x3FDB];
	s0 =	simm.s32 @p2 $0x1  }
0x17: {  	s4 =	simm.s32 $0x1BF5;
	[smem:$0x3FB4] =	sst s0  }
0x18: {  	s0 =	sld [smem:$0x3F97];
	_ =	swait.ge [sflag:s4], $0x0  }
0x19: {  	s7 =	sld [smem:$0x3F98]  }
0x1a: {  	s8 =	sadd.s32 $0xFFFFE003, lr  }
0x1b: {  	s9 =	sadd.s32 $0xFFFFFEF7, lr;
	s5 =	simm.s32 $0xFFFFFFFF;
	p2 =	slt.u32 s8, $0xFFFFF086  }
0x1c: {  	p1 =	slt.u32 s9, $0xF7A;
	s5 =	simm.s32 @!p2 $0x0  }
0x1d: {  	s5 =	simm.s32 @p1 $0x1;
	p0 =	seq.s32 s7, s2  }
0x1e: {  	s7 =	smul.u32 @!p0 $0xF7A, s2;
	p2 =	seq.s32 @!p0 s5, $0x0  }
0x1f: {  	s9 =	smul.u32 $0xF7A, s1;
	s8 =	simm.s32 @!p0 $0x1BF5;
	p2 =	por !p2, p0  }
0x20: {  	[sflag:s8] =	ssyncset.s32 @!p0 $0xFFFFF086;
	s6 =	sadd.s32 @!p0 s3, s7;
	s7 =	simm.s32 @!p0 $0x108  }
0x21: {  	s3 =	sadd.s32 s3, s9;
	s6 =	sadd.s32 @!p0 $0x88, s6;
	s7 =	simm.s32 @p2 $0x1082  }
0x22: {  	[simem:s7], [sflag:s8] =	dma.local @!p0 [hbm:s6], $0xF7A  }
0x23: {  	s9 =	sor.u32 $0xD0000000, s2;
	s6 =	simm.s32 $0x108;
	_ =	swait.ge @!p0 [sflag:s8], $0x0  }
0x24: {  	s3 =	sadd.s32 $0x88, s3;
	s6 =	simm.s32 @!p1 $0x1082;
	[sflag:s4] =	ssyncset.s32 $0xFFFFF086  }
0x25: {  	[simem:s6], [sflag:s4] =	dma.local [hbm:s3], $0xF7A  }
0x26: {  	[smem:$0x3F98] =	sst s1;
	(tag) =	ssettag s2;
	_ =	strace s9  }
0x27: {  	s1 =	sld [smem:$0x3FA8]  }
0x28: {  	s2 =	sld [smem:$0x3FA9]  }
0x29: {  	s4 =	sld [smem:$0x3FAB]  }
0x2a: {  	p0 =	seq.s32 s5, $0x0;
	s5 =	sld [smem:$0x3FAC]  }
0x2b: {  	s6 =	sld [smem:$0x3FAD]  }
0x2c: {  	s7 =	sld [smem:$0x3FAE]  }
0x2d: {  	s3 =	simm.s32 $0x108;
	s8 =	sld [smem:$0x3FAF]  }
0x2e: {  	s3 =	simm.s32 @!p0 $0x1082;
	s9 =	sld [smem:$0x3FB0]  }
0x2f: {  	lr =	sadd.s32 s0, s3;
	s0 =	sld [smem:$0x3FA7]  }
0x30: {  	s3 =	sld [smem:$0x3FAA]  }
0x31: {  	[smem:$0x3FB3] =	sst s10  }
0x32: {  	s10 =	sld [smem:$0x3FB1];
	_ =	sdelay $0x3  }
0x33: {  	p0 =	seq.s32 s10, $0x1;
	s10 =	sld [smem:$0x3FB3];
	_ =	sdelay $0x3  }
0x34: {  	[smem:$0x3FB3] =	sst s10  }
0x35: {  	s10 =	sld [smem:$0x3FB2];
	_ =	sdelay $0x3  }
0x36: {  	p1 =	seq.s32 s10, $0x1;
	s10 =	sld [smem:$0x3FB3];
	_ =	sdelay $0x3  }
0x37: {  	[smem:$0x3FB3] =	sst s10  }
0x38: {  	s10 =	sld [smem:$0x3FB4]  }
0x39: {  	_ = 	snop;
	(pc) =	sbr.ind lr, $3  }
0x3a: {  	_ = 	snop  }
0x3b: {  	_ = 	snop  }
0x3c: {  	p2 =	seq.s32 s10, $0x1;
	s10 =	sld [smem:$0x3FB3]  }
0x3d: {  	_ =	shalt  }
0x3e: {  	_ =	shalt  }
0x3f: {  	_ =	shalt  }
0x40: {  	_ =	shalt  }
0x41: {  	_ =	shalt  }
0x42: {  	_ =	shalt  }
0x43: {  	_ =	shalt  }
0x44: {  	_ =	shalt  }
0x45: {  	_ =	shalt  }
0x46: {  	_ =	shalt  }
0x47: {  	_ =	shalt  }
0x48: {  	_ =	shalt  }
0x49: {  	_ =	shalt  }
0x4a: {  	_ =	shalt  }
0x4b: {  	_ =	shalt  }
0x4c: {  	_ =	shalt  }
0x4d: {  	_ =	shalt  }
0x4e: {  	_ =	shalt  }
0x4f: {  	_ =	shalt  }
0x50: {  	_ =	shalt  }
0x51: {  	_ =	shalt  }
0x52: {  	_ =	shalt  }
0x53: {  	_ =	shalt  }
0x54: {  	_ =	shalt  }
0x55: {  	_ =	shalt  }
0x56: {  	_ =	shalt  }
0x57: {  	_ =	shalt  }
0x58: {  	_ =	shalt  }
0x59: {  	_ =	shalt  }
0x5a: {  	_ =	shalt  }
0x5b: {  	_ =	shalt  }
0x5c: {  	_ =	shalt  }
0x5d: {  	_ =	shalt  }
0x5e: {  	_ =	shalt  }
0x5f: {  	_ =	shalt  }
0x60: {  	_ =	shalt  }
0x61: {  	_ =	shalt  }
0x62: {  	_ =	shalt  }
0x63: {  	_ =	shalt  }
0x64: {  	_ =	shalt  }
0x65: {  	_ =	shalt  }
0x66: {  	_ =	shalt  }
0x67: {  	_ =	shalt  }
0x68: {  	_ =	shalt  }
0x69: {  	_ =	shalt  }
0x6a: {  	_ =	shalt  }
0x6b: {  	_ =	shalt  }
0x6c: {  	_ =	shalt  }
0x6d: {  	_ =	shalt  }
0x6e: {  	_ =	shalt  }
0x6f: {  	_ =	shalt  }
0x70: {  	_ =	shalt  }
0x71: {  	_ =	shalt  }
0x72: {  	_ =	shalt  }
0x73: {  	_ =	shalt  }
0x74: {  	_ =	shalt  }
0x75: {  	_ =	shalt  }
0x76: {  	_ =	shalt  }
0x77: {  	_ =	shalt  }
0x78: {  	_ =	shalt  }
0x79: {  	_ =	shalt  }
0x7a: {  	_ =	shalt  }
0x7b: {  	_ =	shalt  }
0x7c: {  	_ =	shalt  }
0x7d: {  	_ =	shalt  }
0x7e: {  	_ =	shalt  }
0x7f: {  	_ =	shalt  }
0x80: {  	_ =	shalt  }
0x81: {  	_ =	shalt  }
0x82: {  	_ =	shalt  }
0x83: {  	_ =	shalt  }
0x84: {  	_ =	shalt  }
0x85: {  	_ =	shalt  }
0x86: {  	_ =	shalt  }
0x87: {  	_ =	shalt  }
.Lfunc_end0:
.L_simem_size_0:
called_computation_lowered:
.L_overlay_start_0:
0x88: {  	s2 =	sld [smem:$0x3FD9]  }
0x89: {  	s3 =	sld [smem:$0x3FFE];
	_ =	sdelay $0x1  }
0x8a: {  	s1 =	srdreg.scid  }
0x8b: {  	s0 =	sand.u32 $0x1, s1  }
0x8c: {  	s17 =	sshll.u32 s0, $0xA;
	s2 =	sadd.s32 s3, s2  }
0x8d: {  	s2 =	sadd.s32 s2, s17  }
0x8e: {  	[smem:$0x3FBF] =	sst s2  }
0x8f: {  	_ = 	snop  }
0x90: {  	s2 =	sld [smem:$0x3FC8]  }
0x91: {  	s18 =	sld [smem:$0x3FD0];
	(tm) =	ssettm $0x1  }
0x92: {  	s4 =	sld [smem:$0x3FFB];
	_ =	sdelay $0x3  }
0x93: {  	_ =	strace s4  }
0x94: {  	s4 =	sld [smem:$0x3FFC];
	_ =	sdelay $0x3  }
0x95: {  	_ =	strace s4  }
0x96: {  	s4 =	sld [smem:$0x3FFD];
	_ =	sdelay $0x3  }
0x97: {  	_ =	strace s4  }
0x98: {  	_ =	strace $0x8FFFFFFF  }
0x99: {  	s19 =	sld [smem:$0x3FDB];
	_ =	sdelay $0x1  }
0x9a: {  	s5 =	simm.s32 $_scs_section_size  }
0x9b: {  	s6 =	simm.s32 $_size__tile_overlayer_lowered;
	s7 =	simm.s32 $_tile_overlayer_lowered  }
0x9c: {  	s22 =	simm.s32 $0x1BFF;
	s21 =	sshll.u32 s7, $0x1;
	s4 =	sadd.s32 s5, s19  }
0x9d: {  	s8 =	simm.s32 $0x0;
	s20 =	sshll.u32 s6, $0x1;
	s6 =	sadd.s32 s21, s4  }
0x9e: {  	[timem:s8], [sflag:s22] =	dma.local [hbm:s6], s20  }
0x9f: {  	_ =	swait.ge [sflag:s22], s20  }
0xa0: {  	s5 =	ssub.s32 $0x0, s20;
	[sflag:s22] =	ssyncset.done $0x0  }
0xa1: {  	[sflag:s22] =	ssyncadd.s32 s5;
	_ =	sdelay $0x1  }
0xa2: {  	s23 =	simm.s32 $0x1B8B  }
0xa3: {  	_ =	swait.ge [sflag:s23], $0x1  }
0xa4: {  	[sflag:s23] =	ssyncset.done $0x0  }
0xa5: {  	s25 =	simm.s32 $0x1B8E;
	s24 =	sld [smem:$0x3FFE];
	[sflag:s23] =	ssyncadd.s32 $0xFFFFFFFF  }
0xa6: {  	s26 =	simm.s32 $execute0_lowered;
	[smem:$0x3FD2] =	sst s25  }
0xa7: {  	s6 =	sshll.u32 s26, $0x1;
	_ =	strace $0x80000046;
	[dreg:$0x1] =	wrdreg $0xFFFFFFFF  }
0xa8: {  	s28 =	simm.s32 $_size_execute0_lowered;
	s4 =	sadd.s32 s4, s6;
	[dreg:$0x0] =	wrdreg $0x0  }
0xa9: {  	s6 =	sshll.u32 s28, $0x1;
	[dreg:$0x2] =	wrdreg s4  }
0xaa: {  	[dreg:$0x3] =	wrdreg s6  }
0xab: {  	[dreg:$0x4] =	wrdreg $0xC0  }
0xac: {  	_ =	task [dreg:s8], $0x5FFFF  }
0xad: {  	[dreg:$0x1] =	wrdreg $0xFFFFFFFF  }
0xae: {  	[dreg:$0x0] =	wrdreg $0x60  }
0xaf: {  	[dreg:$0x2] =	wrdreg s2  }
0xb0: {  	[dreg:$0x3] =	wrdreg s18  }
0xb1: {  	[dreg:$0x4] =	wrdreg s24  }
0xb2: {  	[dreg:$0x5] =	wrdreg $0x9  }
0xb3: {  	_ =	task.clear_ibuf [dreg:s8], $0x6FFFF;
	_ =	strace $0x90000046  }
0xb4: {  	s29 =	simm.s32 $0x9;
	_ =	strace $0x80000048  }
0xb5: {  	_ =	swait.ge [sflag:s29], $0x1  }
0xb6: {  	[sflag:s29] =	ssyncadd.s32 $0xFFFFFFFF  }
0xb7: {  	_ =	strace $0x90000048  }
0xb8: {  	_ =	sfence  }
0xb9: {  	s30 =	sld [smem:$0x0];
	_ =	sdelay $0x2  }
0xba: {  	s31 =	sshll.u32 s1, $0xD;
	s1 =	sshrl.u32 s1, $0x2  }
0xbb: {  	s3 =	sand.u32 $0x4000, s31;
	s1 =	sadd.s32 s1, s30  }
0xbc: {  	s0 =	sor.u32 s3, s0;
	s1 =	sshll.u32 s1, $0x11  }
0xbd: {  	s0 =	sor.u32 s1, s0  }
0xbe: {  	s0 =	sadd.s32 $0x8F2B, s0  }
0xbf: {  	[sflag:s0] =	ssyncadd.remote.s32 $0x1  }
0xc0: {  	_ =	sfence.sel $0xFFFF  }
0xc1: {  	[dreg:$0x0] =	wrdreg $0xFFFFFFFF;
	(pc) =	sbr.abs _section_cstart, $3  }
0xc2: {  	[dreg:$0x1] =	wrdreg $0xFFFFFFFF  }
0xc3: {  	_ =	task.clear_ibuf [dreg:s8], $0x2FFFF;
	_ =	strace $0x9FFFFFFF  }
0xc4: {  	(tm) =	ssettm $0x7FFFFFFF  }
0xc5: {  	_ =	shalt  }
tec
execute0_lowered:
.L_overlay_start_1:
0x0: {  	(tag) =	ssettag $0x1  }
0x1: {  	s1 =	rddreg [dreg:$0x0]  }
0x2: {  	s10 =	rddreg [dreg:$0x1]  }
0x3: {  	s4 =	rddreg [dreg:$0x2]  }
0x4: {  	s0 =	rddreg [dreg:$0x3]  }
0x5: {  	s3 =	simm.s32 $0x0;
	s5 =	srdreg.scid;
	s2 =	stileid.u32  }
0x6: {  	s15 =	simm.s32 $0x880;
	s16 =	simm.s32 $0x1080;
	s17 =	simm.s32 $0x1880  }
0x7: {  	s18 =	simm.s32 $0x2080;
	s19 =	simm.s32 $0x2880;
	s20 =	simm.s32 $0x3080  }
0x8: {  	s28 =	simm.s32 $0x6880;
	s29 =	simm.s32 $0x7080;
	s30 =	simm.s32 $0x7880  }
0x9: {  	s31 =	simm.s32 $0x1;
	[smem:$0x7FF] =	sst s3;
	s5 =	sand.u32 $0x1, s5  }
0xa: {  	s7 =	sshll.u32 s2, $0xA;
	s6 =	ssub.s32 $0x2, s5;
	s5 =	sshll.u32 s5, $0x9  }
0xb: {  	s11 =	sadd.s32 $0x800, s4;
	s21 =	sshrl.u32 s6, $0x1;
	s9 =	sor.u32 s5, s7  }
0xc: {  	_ =	strace $0x80000047;
	s12 =	ssub.s32 s6, s21;
	s22 =	sshrl.u32 s9, $0x3  }
0xd: {  	s5 =	sshll.u32 s9, $0x5;
	s23 =	sor.u32 $0x80, s9;
	s13 =	sor.u32 $0x100, s9  }
0xe: {  	s14 =	sor.u32 $0x180, s9;
	s21 =	simm.s32 $0x3880;
	s4 =	sadd.s32 s10, s22  }
0xf: {  	s5 =	sadd.s32 s11, s5;
	s24 =	sshrl.u32 s23, $0x3;
	s8 =	sshll.u32 s23, $0x5  }
0x10: {  	s25 =	sshrl.u32 s13, $0x3;
	s13 =	sshll.u32 s13, $0x5;
	s26 =	sshrl.u32 s14, $0x3  }
0x11: {  	s14 =	sshll.u32 s14, $0x5;
	s12 =	smax.u32 s12, $0x1;
	s22 =	simm.s32 $0x4080  }
0x12: {  	s23 =	simm.s32 $0x4880;
	s6 =	sadd.s32 s10, s24;
	s7 =	sadd.s32 s11, s8  }
0x13: {  	v2 =	vlaneseq.u32;
	s8 =	sadd.s32 s10, s25;
	s9 =	sadd.s32 s11, s13;
	s10 =	sadd.s32 s10, s26  }
0x14: {  	vm0 =	vmmov $0xffff;
	v1 =	vshrl.u32 v2, $0x3;
	s11 =	sadd.s32 s11, s14;
	s13 =	simm.s32 $0x2;
	s14 =	simm.s32 $0x80  }
0x15: {  	v0 =	vand.u32 $0x7, v2;
	v2 =	vor.u32 $0x8, v2;
	v1 =	vmul.u32 $0x8, v1;
	s24 =	simm.s32 $0x5080;
	s25 =	simm.s32 $0x5880;
	s26 =	simm.s32 $0x6080  }
.LBB2_1:
0x16: {  	[tilespmem:s3], [sflag:$0x2] =	stream.linear.gather [hbm4b:s4+s3], $0x80, $0x38;
	[tilespmem:$0x8080] =	vst v63  }
0x17: {  	_ =	swait.ge [sflag:s13], $0x80  }
0x18: {  	[sflag:s13] =	ssyncset.done $0x0  }
0x19: {  	[sflag:s13] =	ssyncadd.s32 $0xFFFFFF80  }
0x1a: {  	v3 =	vld [tilespmem:$0x0];
	_ =	sdelay $0x4  }
0x1b: {  	v4 =	vshll.u32 v3, $0x1  }
0x1c: {  	v3 =	vand.u32 $0x7, v3;
	v4 =	vand.u32 $0xFFFFFFF0, v4  }
0x1d: {  	v3 =	vor.u32 v3, v4  }
0x1e: {  	v4 =	vperm.xlane v3, v0;
	_ =	sdelay $0x1  }
0x1f: {  	v3 =	vperm.xlane v3, v2;
	v4 =	vadd.s32 v1, v4;
	_ =	sdelay $0x1  }
0x20: {  	v3 =	vadd.s32 v1, v3;
	_ =	sdelay $0x2  }
0x21: {  	[tilespmem:s14], [sflag:$0x1] =	stream.indirect_vreg.gather [hbm4b:s1+s3], $0x80, v4, vm0, $0xb8;
	[tilespmem:$0x8080] =	vst v63  }
0x22: {  	_ = 	snop  }
0x23: {  	[tilespmem:s15], [sflag:$0x1] =	stream.indirect_vreg.gather [hbm4b:s1+s3], $0x80, v3, vm0, $0xb8;
	[tilespmem:$0x8080] =	vst v63  }
0x24: {  	v3 =	vld [tilespmem:$0x10];
	_ =	sdelay $0x4  }
0x25: {  	v33 =	vshll.u32 v3, $0x1  }
0x26: {  	v3 =	vand.u32 $0x7, v3;
	v4 =	vand.u32 $0xFFFFFFF0, v33  }
0x27: {  	v3 =	vor.u32 v3, v4  }
0x28: {  	v4 =	vperm.xlane v3, v0;
	_ =	sdelay $0x1  }
0x29: {  	v3 =	vperm.xlane v3, v2;
	v4 =	vadd.s32 v1, v4;
	_ =	sdelay $0x1  }
0x2a: {  	v3 =	vadd.s32 v1, v3;
	_ =	sdelay $0x2  }
0x2b: {  	[tilespmem:s16], [sflag:$0x1] =	stream.indirect_vreg.gather [hbm4b:s1+s3], $0x80, v4, vm0, $0xb8;
	[tilespmem:$0x8080] =	vst v63  }
0x2c: {  	_ = 	snop  }
0x2d: {  	[tilespmem:s17], [sflag:$0x1] =	stream.indirect_vreg.gather [hbm4b:s1+s3], $0x80, v3, vm0, $0xb8;
	[tilespmem:$0x8080] =	vst v63  }
0x2e: {  	v3 =	vld [tilespmem:$0x20];
	_ =	sdelay $0x4  }
0x2f: {  	v34 =	vshll.u32 v3, $0x1  }
0x30: {  	v3 =	vand.u32 $0x7, v3;
	v4 =	vand.u32 $0xFFFFFFF0, v34  }
0x31: {  	v3 =	vor.u32 v3, v4  }
0x32: {  	v4 =	vperm.xlane v3, v0;
	_ =	sdelay $0x1  }
0x33: {  	v3 =	vperm.xlane v3, v2;
	v4 =	vadd.s32 v1, v4;
	_ =	sdelay $0x1  }
0x34: {  	v3 =	vadd.s32 v1, v3;
	_ =	sdelay $0x2  }
0x35: {  	[tilespmem:s18], [sflag:$0x1] =	stream.indirect_vreg.gather [hbm4b:s1+s3], $0x80, v4, vm0, $0xb8;
	[tilespmem:$0x8080] =	vst v63  }
0x36: {  	_ = 	snop  }
0x37: {  	[tilespmem:s19], [sflag:$0x1] =	stream.indirect_vreg.gather [hbm4b:s1+s3], $0x80, v3, vm0, $0xb8;
	[tilespmem:$0x8080] =	vst v63  }
0x38: {  	v3 =	vld [tilespmem:$0x30];
	_ =	sdelay $0x4  }
0x39: {  	v35 =	vshll.u32 v3, $0x1  }
0x3a: {  	v3 =	vand.u32 $0x7, v3;
	v4 =	vand.u32 $0xFFFFFFF0, v35  }
0x3b: {  	v3 =	vor.u32 v3, v4  }
0x3c: {  	v4 =	vperm.xlane v3, v0;
	_ =	sdelay $0x1  }
0x3d: {  	v3 =	vperm.xlane v3, v2;
	v4 =	vadd.s32 v1, v4;
	_ =	sdelay $0x1  }
0x3e: {  	v3 =	vadd.s32 v1, v3;
	_ =	sdelay $0x2  }
0x3f: {  	[tilespmem:s20], [sflag:$0x1] =	stream.indirect_vreg.gather [hbm4b:s1+s3], $0x80, v4, vm0, $0xb8;
	[tilespmem:$0x8080] =	vst v63  }
0x40: {  	_ = 	snop  }
0x41: {  	[tilespmem:s21], [sflag:$0x1] =	stream.indirect_vreg.gather [hbm4b:s1+s3], $0x80, v3, vm0, $0xb8;
	[tilespmem:$0x8080] =	vst v63  }
0x42: {  	v3 =	vld [tilespmem:$0x40];
	_ =	sdelay $0x4  }
0x43: {  	v36 =	vshll.u32 v3, $0x1  }
0x44: {  	v3 =	vand.u32 $0x7, v3;
	v4 =	vand.u32 $0xFFFFFFF0, v36  }
0x45: {  	v3 =	vor.u32 v3, v4  }
0x46: {  	v4 =	vperm.xlane v3, v0;
	_ =	sdelay $0x1  }
0x47: {  	v3 =	vperm.xlane v3, v2;
	v4 =	vadd.s32 v1, v4;
	_ =	sdelay $0x1  }
0x48: {  	v3 =	vadd.s32 v1, v3;
	_ =	sdelay $0x2  }
0x49: {  	[tilespmem:s22], [sflag:$0x1] =	stream.indirect_vreg.gather [hbm4b:s1+s3], $0x80, v4, vm0, $0xb8;
	[tilespmem:$0x8080] =	vst v63  }
0x4a: {  	_ = 	snop  }
0x4b: {  	[tilespmem:s23], [sflag:$0x1] =	stream.indirect_vreg.gather [hbm4b:s1+s3], $0x80, v3, vm0, $0xb8;
	[tilespmem:$0x8080] =	vst v63  }
0x4c: {  	v3 =	vld [tilespmem:$0x50];
	_ =	sdelay $0x4  }
0x4d: {  	v37 =	vshll.u32 v3, $0x1  }
0x4e: {  	v3 =	vand.u32 $0x7, v3;
	v4 =	vand.u32 $0xFFFFFFF0, v37  }
0x4f: {  	v3 =	vor.u32 v3, v4  }
0x50: {  	v4 =	vperm.xlane v3, v0;
	_ =	sdelay $0x1  }
0x51: {  	v3 =	vperm.xlane v3, v2;
	v4 =	vadd.s32 v1, v4;
	_ =	sdelay $0x1  }
0x52: {  	v3 =	vadd.s32 v1, v3;
	_ =	sdelay $0x2  }
0x53: {  	[tilespmem:s24], [sflag:$0x1] =	stream.indirect_vreg.gather [hbm4b:s1+s3], $0x80, v4, vm0, $0xb8;
	[tilespmem:$0x8080] =	vst v63  }
0x54: {  	_ = 	snop  }
0x55: {  	[tilespmem:s25], [sflag:$0x1] =	stream.indirect_vreg.gather [hbm4b:s1+s3], $0x80, v3, vm0, $0xb8;
	[tilespmem:$0x8080] =	vst v63  }
0x56: {  	v3 =	vld [tilespmem:$0x60];
	_ =	sdelay $0x4  }
0x57: {  	v38 =	vshll.u32 v3, $0x1  }
0x58: {  	v3 =	vand.u32 $0x7, v3;
	v4 =	vand.u32 $0xFFFFFFF0, v38  }
0x59: {  	v3 =	vor.u32 v3, v4  }
0x5a: {  	v4 =	vperm.xlane v3, v0;
	_ =	sdelay $0x1  }
0x5b: {  	v3 =	vperm.xlane v3, v2;
	v4 =	vadd.s32 v1, v4;
	_ =	sdelay $0x1  }
0x5c: {  	v3 =	vadd.s32 v1, v3;
	_ =	sdelay $0x2  }
0x5d: {  	[tilespmem:s26], [sflag:$0x1] =	stream.indirect_vreg.gather [hbm4b:s1+s3], $0x80, v4, vm0, $0xb8;
	[tilespmem:$0x8080] =	vst v63  }
0x5e: {  	_ = 	snop  }
0x5f: {  	[tilespmem:s28], [sflag:$0x1] =	stream.indirect_vreg.gather [hbm4b:s1+s3], $0x80, v3, vm0, $0xb8;
	[tilespmem:$0x8080] =	vst v63  }
0x60: {  	v3 =	vld [tilespmem:$0x70];
	_ =	sdelay $0x4  }
0x61: {  	v39 =	vshll.u32 v3, $0x1  }
0x62: {  	v3 =	vand.u32 $0x7, v3;
	v4 =	vand.u32 $0xFFFFFFF0, v39  }
0x63: {  	v3 =	vor.u32 v3, v4  }
0x64: {  	v4 =	vperm.xlane v3, v0;
	_ =	sdelay $0x1  }
0x65: {  	v3 =	vperm.xlane v3, v2;
	v4 =	vadd.s32 v1, v4;
	_ =	sdelay $0x1  }
0x66: {  	v3 =	vadd.s32 v1, v3;
	_ =	sdelay $0x2  }
0x67: {  	[tilespmem:s29], [sflag:$0x1] =	stream.indirect_vreg.gather [hbm4b:s1+s3], $0x80, v4, vm0, $0xb8;
	[tilespmem:$0x8080] =	vst v63  }
0x68: {  	_ = 	snop  }
0x69: {  	[tilespmem:s30], [sflag:$0x1] =	stream.indirect_vreg.gather [hbm4b:s1+s3], $0x80, v3, vm0, $0xb8;
	[tilespmem:$0x8080] =	vst v63  }
0x6a: {  	_ =	swait.ge [sflag:s31], $0x8000  }
0x6b: {  	[sflag:s31] =	ssyncset.done $0x0  }
0x6c: {  	[sflag:s31] =	ssyncadd.s32 $0xFFFF8000  }
0x6d: {  	[hbm4b:s5+s3] =	stream.linear.scatter [tilespmem:s14], [sflag:$0x2], $0x8000, $0x38;
	[tilespmem:$0x8080] =	vst v63  }
0x6e: {  	_ =	swait.ge [sflag:s13], $0x8000  }
0x6f: {  	[sflag:s13] =	ssyncset.done $0x0  }
0x70: {  	[sflag:s13] =	ssyncadd.s32 $0xFFFF8000  }
0x71: {  	[tilespmem:s3], [sflag:$0x2] =	stream.linear.gather [hbm4b:s6+s3], $0x80, $0x38;
	[tilespmem:$0x8080] =	vst v63  }
0x72: {  	_ =	swait.ge [sflag:s13], $0x80  }
0x73: {  	[sflag:s13] =	ssyncset.done $0x0  }
0x74: {  	[sflag:s13] =	ssyncadd.s32 $0xFFFFFF80  }
0x75: {  	v3 =	vld [tilespmem:$0x0];
	_ =	sdelay $0x4  }
0x76: {  	v40 =	vshll.u32 v3, $0x1  }
0x77: {  	v3 =	vand.u32 $0x7, v3;
	v4 =	vand.u32 $0xFFFFFFF0, v40  }
0x78: {  	v3 =	vor.u32 v3, v4  }
0x79: {  	v4 =	vperm.xlane v3, v0;
	_ =	sdelay $0x1  }
0x7a: {  	v3 =	vperm.xlane v3, v2;
	v4 =	vadd.s32 v1, v4;
	_ =	sdelay $0x1  }
0x7b: {  	v3 =	vadd.s32 v1, v3;
	_ =	sdelay $0x2  }
0x7c: {  	[tilespmem:s14], [sflag:$0x1] =	stream.indirect_vreg.gather [hbm4b:s1+s3], $0x80, v4, vm0, $0xb8;
	[tilespmem:$0x8080] =	vst v63  }
0x7d: {  	_ = 	snop  }
0x7e: {  	[tilespmem:s15], [sflag:$0x1] =	stream.indirect_vreg.gather [hbm4b:s1+s3], $0x80, v3, vm0, $0xb8;
	[tilespmem:$0x8080] =	vst v63  }
0x7f: {  	v3 =	vld [tilespmem:$0x10];
	_ =	sdelay $0x4  }
0x80: {  	v41 =	vshll.u32 v3, $0x1  }
0x81: {  	v3 =	vand.u32 $0x7, v3;
	v4 =	vand.u32 $0xFFFFFFF0, v41  }
0x82: {  	v3 =	vor.u32 v3, v4  }
0x83: {  	v4 =	vperm.xlane v3, v0;
	_ =	sdelay $0x1  }
0x84: {  	v3 =	vperm.xlane v3, v2;
	v4 =	vadd.s32 v1, v4;
	_ =	sdelay $0x1  }
0x85: {  	v3 =	vadd.s32 v1, v3;
	_ =	sdelay $0x2  }
0x86: {  	[tilespmem:s16], [sflag:$0x1] =	stream.indirect_vreg.gather [hbm4b:s1+s3], $0x80, v4, vm0, $0xb8;
	[tilespmem:$0x8080] =	vst v63  }
0x87: {  	_ = 	snop  }
0x88: {  	[tilespmem:s17], [sflag:$0x1] =	stream.indirect_vreg.gather [hbm4b:s1+s3], $0x80, v3, vm0, $0xb8;
	[tilespmem:$0x8080] =	vst v63  }
0x89: {  	v3 =	vld [tilespmem:$0x20];
	_ =	sdelay $0x4  }
0x8a: {  	v42 =	vshll.u32 v3, $0x1  }
0x8b: {  	v3 =	vand.u32 $0x7, v3;
	v4 =	vand.u32 $0xFFFFFFF0, v42  }
0x8c: {  	v3 =	vor.u32 v3, v4  }
0x8d: {  	v4 =	vperm.xlane v3, v0;
	_ =	sdelay $0x1  }
0x8e: {  	v3 =	vperm.xlane v3, v2;
	v4 =	vadd.s32 v1, v4;
	_ =	sdelay $0x1  }
0x8f: {  	v3 =	vadd.s32 v1, v3;
	_ =	sdelay $0x2  }
0x90: {  	[tilespmem:s18], [sflag:$0x1] =	stream.indirect_vreg.gather [hbm4b:s1+s3], $0x80, v4, vm0, $0xb8;
	[tilespmem:$0x8080] =	vst v63  }
0x91: {  	_ = 	snop  }
0x92: {  	[tilespmem:s19], [sflag:$0x1] =	stream.indirect_vreg.gather [hbm4b:s1+s3], $0x80, v3, vm0, $0xb8;
	[tilespmem:$0x8080] =	vst v63  }
0x93: {  	v3 =	vld [tilespmem:$0x30];
	_ =	sdelay $0x4  }
0x94: {  	v43 =	vshll.u32 v3, $0x1  }
0x95: {  	v3 =	vand.u32 $0x7, v3;
	v4 =	vand.u32 $0xFFFFFFF0, v43  }
0x96: {  	v3 =	vor.u32 v3, v4  }
0x97: {  	v4 =	vperm.xlane v3, v0;
	_ =	sdelay $0x1  }
0x98: {  	v3 =	vperm.xlane v3, v2;
	v4 =	vadd.s32 v1, v4;
	_ =	sdelay $0x1  }
0x99: {  	v3 =	vadd.s32 v1, v3;
	_ =	sdelay $0x2  }
0x9a: {  	[tilespmem:s20], [sflag:$0x1] =	stream.indirect_vreg.gather [hbm4b:s1+s3], $0x80, v4, vm0, $0xb8;
	[tilespmem:$0x8080] =	vst v63  }
0x9b: {  	_ = 	snop  }
0x9c: {  	[tilespmem:s21], [sflag:$0x1] =	stream.indirect_vreg.gather [hbm4b:s1+s3], $0x80, v3, vm0, $0xb8;
	[tilespmem:$0x8080] =	vst v63  }
0x9d: {  	v3 =	vld [tilespmem:$0x40];
	_ =	sdelay $0x4  }
0x9e: {  	v44 =	vshll.u32 v3, $0x1  }
0x9f: {  	v3 =	vand.u32 $0x7, v3;
	v4 =	vand.u32 $0xFFFFFFF0, v44  }
0xa0: {  	v3 =	vor.u32 v3, v4  }
0xa1: {  	v4 =	vperm.xlane v3, v0;
	_ =	sdelay $0x1  }
0xa2: {  	v3 =	vperm.xlane v3, v2;
	v4 =	vadd.s32 v1, v4;
	_ =	sdelay $0x1  }
0xa3: {  	v3 =	vadd.s32 v1, v3;
	_ =	sdelay $0x2  }
0xa4: {  	[tilespmem:s22], [sflag:$0x1] =	stream.indirect_vreg.gather [hbm4b:s1+s3], $0x80, v4, vm0, $0xb8;
	[tilespmem:$0x8080] =	vst v63  }
0xa5: {  	_ = 	snop  }
0xa6: {  	[tilespmem:s23], [sflag:$0x1] =	stream.indirect_vreg.gather [hbm4b:s1+s3], $0x80, v3, vm0, $0xb8;
	[tilespmem:$0x8080] =	vst v63  }
0xa7: {  	v3 =	vld [tilespmem:$0x50];
	_ =	sdelay $0x4  }
0xa8: {  	v45 =	vshll.u32 v3, $0x1  }
0xa9: {  	v3 =	vand.u32 $0x7, v3;
	v4 =	vand.u32 $0xFFFFFFF0, v45  }
0xaa: {  	v3 =	vor.u32 v3, v4  }
0xab: {  	v4 =	vperm.xlane v3, v0;
	_ =	sdelay $0x1  }
0xac: {  	v3 =	vperm.xlane v3, v2;
	v4 =	vadd.s32 v1, v4;
	_ =	sdelay $0x1  }
0xad: {  	v3 =	vadd.s32 v1, v3;
	_ =	sdelay $0x2  }
0xae: {  	[tilespmem:s24], [sflag:$0x1] =	stream.indirect_vreg.gather [hbm4b:s1+s3], $0x80, v4, vm0, $0xb8;
	[tilespmem:$0x8080] =	vst v63  }
0xaf: {  	_ = 	snop  }
0xb0: {  	[tilespmem:s25], [sflag:$0x1] =	stream.indirect_vreg.gather [hbm4b:s1+s3], $0x80, v3, vm0, $0xb8;
	[tilespmem:$0x8080] =	vst v63  }
0xb1: {  	v3 =	vld [tilespmem:$0x60];
	_ =	sdelay $0x4  }
0xb2: {  	v46 =	vshll.u32 v3, $0x1  }
0xb3: {  	v3 =	vand.u32 $0x7, v3;
	v4 =	vand.u32 $0xFFFFFFF0, v46  }
0xb4: {  	v3 =	vor.u32 v3, v4  }
0xb5: {  	v4 =	vperm.xlane v3, v0;
	_ =	sdelay $0x1  }
0xb6: {  	v3 =	vperm.xlane v3, v2;
	v4 =	vadd.s32 v1, v4;
	_ =	sdelay $0x1  }
0xb7: {  	v3 =	vadd.s32 v1, v3;
	_ =	sdelay $0x2  }
0xb8: {  	[tilespmem:s26], [sflag:$0x1] =	stream.indirect_vreg.gather [hbm4b:s1+s3], $0x80, v4, vm0, $0xb8;
	[tilespmem:$0x8080] =	vst v63  }
0xb9: {  	_ = 	snop  }
0xba: {  	[tilespmem:s28], [sflag:$0x1] =	stream.indirect_vreg.gather [hbm4b:s1+s3], $0x80, v3, vm0, $0xb8;
	[tilespmem:$0x8080] =	vst v63  }
0xbb: {  	v3 =	vld [tilespmem:$0x70];
	_ =	sdelay $0x4  }
0xbc: {  	v47 =	vshll.u32 v3, $0x1  }
0xbd: {  	v3 =	vand.u32 $0x7, v3;
	v4 =	vand.u32 $0xFFFFFFF0, v47  }
0xbe: {  	v3 =	vor.u32 v3, v4  }
0xbf: {  	v4 =	vperm.xlane v3, v0;
	_ =	sdelay $0x1  }
0xc0: {  	v3 =	vperm.xlane v3, v2;
	v4 =	vadd.s32 v1, v4;
	_ =	sdelay $0x1  }
0xc1: {  	v3 =	vadd.s32 v1, v3;
	_ =	sdelay $0x2  }
0xc2: {  	[tilespmem:s29], [sflag:$0x1] =	stream.indirect_vreg.gather [hbm4b:s1+s3], $0x80, v4, vm0, $0xb8;
	[tilespmem:$0x8080] =	vst v63  }
0xc3: {  	_ = 	snop  }
0xc4: {  	[tilespmem:s30], [sflag:$0x1] =	stream.indirect_vreg.gather [hbm4b:s1+s3], $0x80, v3, vm0, $0xb8;
	[tilespmem:$0x8080] =	vst v63  }
0xc5: {  	_ =	swait.ge [sflag:s31], $0x8000  }
0xc6: {  	[sflag:s31] =	ssyncset.done $0x0  }
0xc7: {  	[sflag:s31] =	ssyncadd.s32 $0xFFFF8000  }
0xc8: {  	[hbm4b:s7+s3] =	stream.linear.scatter [tilespmem:s14], [sflag:$0x2], $0x8000, $0x38;
	[tilespmem:$0x8080] =	vst v63  }
0xc9: {  	_ =	swait.ge [sflag:s13], $0x8000  }
0xca: {  	[sflag:s13] =	ssyncset.done $0x0  }
0xcb: {  	[sflag:s13] =	ssyncadd.s32 $0xFFFF8000  }
0xcc: {  	[tilespmem:s3], [sflag:$0x2] =	stream.linear.gather [hbm4b:s8+s3], $0x80, $0x38;
	[tilespmem:$0x8080] =	vst v63  }
0xcd: {  	_ =	swait.ge [sflag:s13], $0x80  }
0xce: {  	[sflag:s13] =	ssyncset.done $0x0  }
0xcf: {  	[sflag:s13] =	ssyncadd.s32 $0xFFFFFF80  }
0xd0: {  	v3 =	vld [tilespmem:$0x0];
	_ =	sdelay $0x4  }
0xd1: {  	v48 =	vshll.u32 v3, $0x1  }
0xd2: {  	v3 =	vand.u32 $0x7, v3;
	v4 =	vand.u32 $0xFFFFFFF0, v48  }
0xd3: {  	v3 =	vor.u32 v3, v4  }
0xd4: {  	v4 =	vperm.xlane v3, v0;
	_ =	sdelay $0x1  }
0xd5: {  	v3 =	vperm.xlane v3, v2;
	v4 =	vadd.s32 v1, v4;
	_ =	sdelay $0x1  }
0xd6: {  	v3 =	vadd.s32 v1, v3;
	_ =	sdelay $0x2  }
0xd7: {  	[tilespmem:s14], [sflag:$0x1] =	stream.indirect_vreg.gather [hbm4b:s1+s3], $0x80, v4, vm0, $0xb8;
	[tilespmem:$0x8080] =	vst v63  }
0xd8: {  	_ = 	snop  }
0xd9: {  	[tilespmem:s15], [sflag:$0x1] =	stream.indirect_vreg.gather [hbm4b:s1+s3], $0x80, v3, vm0, $0xb8;
	[tilespmem:$0x8080] =	vst v63  }
0xda: {  	v3 =	vld [tilespmem:$0x10];
	_ =	sdelay $0x4  }
0xdb: {  	v49 =	vshll.u32 v3, $0x1  }
0xdc: {  	v3 =	vand.u32 $0x7, v3;
	v4 =	vand.u32 $0xFFFFFFF0, v49  }
0xdd: {  	v3 =	vor.u32 v3, v4  }
0xde: {  	v4 =	vperm.xlane v3, v0;
	_ =	sdelay $0x1  }
0xdf: {  	v3 =	vperm.xlane v3, v2;
	v4 =	vadd.s32 v1, v4;
	_ =	sdelay $0x1  }
0xe0: {  	v3 =	vadd.s32 v1, v3;
	_ =	sdelay $0x2  }
0xe1: {  	[tilespmem:s16], [sflag:$0x1] =	stream.indirect_vreg.gather [hbm4b:s1+s3], $0x80, v4, vm0, $0xb8;
	[tilespmem:$0x8080] =	vst v63  }
0xe2: {  	_ = 	snop  }
0xe3: {  	[tilespmem:s17], [sflag:$0x1] =	stream.indirect_vreg.gather [hbm4b:s1+s3], $0x80, v3, vm0, $0xb8;
	[tilespmem:$0x8080] =	vst v63  }
0xe4: {  	v3 =	vld [tilespmem:$0x20];
	_ =	sdelay $0x4  }
0xe5: {  	v50 =	vshll.u32 v3, $0x1  }
0xe6: {  	v3 =	vand.u32 $0x7, v3;
	v4 =	vand.u32 $0xFFFFFFF0, v50  }
0xe7: {  	v3 =	vor.u32 v3, v4  }
0xe8: {  	v4 =	vperm.xlane v3, v0;
	_ =	sdelay $0x1  }
0xe9: {  	v3 =	vperm.xlane v3, v2;
	v4 =	vadd.s32 v1, v4;
	_ =	sdelay $0x1  }
0xea: {  	v3 =	vadd.s32 v1, v3;
	_ =	sdelay $0x2  }
0xeb: {  	[tilespmem:s18], [sflag:$0x1] =	stream.indirect_vreg.gather [hbm4b:s1+s3], $0x80, v4, vm0, $0xb8;
	[tilespmem:$0x8080] =	vst v63  }
0xec: {  	_ = 	snop  }
0xed: {  	[tilespmem:s19], [sflag:$0x1] =	stream.indirect_vreg.gather [hbm4b:s1+s3], $0x80, v3, vm0, $0xb8;
	[tilespmem:$0x8080] =	vst v63  }
0xee: {  	v3 =	vld [tilespmem:$0x30];
	_ =	sdelay $0x4  }
0xef: {  	v51 =	vshll.u32 v3, $0x1  }
0xf0: {  	v3 =	vand.u32 $0x7, v3;
	v4 =	vand.u32 $0xFFFFFFF0, v51  }
0xf1: {  	v3 =	vor.u32 v3, v4  }
0xf2: {  	v4 =	vperm.xlane v3, v0;
	_ =	sdelay $0x1  }
0xf3: {  	v3 =	vperm.xlane v3, v2;
	v4 =	vadd.s32 v1, v4;
	_ =	sdelay $0x1  }
0xf4: {  	v3 =	vadd.s32 v1, v3;
	_ =	sdelay $0x2  }
0xf5: {  	[tilespmem:s20], [sflag:$0x1] =	stream.indirect_vreg.gather [hbm4b:s1+s3], $0x80, v4, vm0, $0xb8;
	[tilespmem:$0x8080] =	vst v63  }
0xf6: {  	_ = 	snop  }
0xf7: {  	[tilespmem:s21], [sflag:$0x1] =	stream.indirect_vreg.gather [hbm4b:s1+s3], $0x80, v3, vm0, $0xb8;
	[tilespmem:$0x8080] =	vst v63  }
0xf8: {  	v3 =	vld [tilespmem:$0x40];
	_ =	sdelay $0x4  }
0xf9: {  	v52 =	vshll.u32 v3, $0x1  }
0xfa: {  	v3 =	vand.u32 $0x7, v3;
	v4 =	vand.u32 $0xFFFFFFF0, v52  }
0xfb: {  	v3 =	vor.u32 v3, v4  }
0xfc: {  	v4 =	vperm.xlane v3, v0;
	_ =	sdelay $0x1  }
0xfd: {  	v3 =	vperm.xlane v3, v2;
	v4 =	vadd.s32 v1, v4;
	_ =	sdelay $0x1  }
0xfe: {  	v3 =	vadd.s32 v1, v3;
	_ =	sdelay $0x2  }
0xff: {  	[tilespmem:s22], [sflag:$0x1] =	stream.indirect_vreg.gather [hbm4b:s1+s3], $0x80, v4, vm0, $0xb8;
	[tilespmem:$0x8080] =	vst v63  }
0x100: {  	_ = 	snop  }
0x101: {  	[tilespmem:s23], [sflag:$0x1] =	stream.indirect_vreg.gather [hbm4b:s1+s3], $0x80, v3, vm0, $0xb8;
	[tilespmem:$0x8080] =	vst v63  }
0x102: {  	v3 =	vld [tilespmem:$0x50];
	_ =	sdelay $0x4  }
0x103: {  	v53 =	vshll.u32 v3, $0x1  }
0x104: {  	v3 =	vand.u32 $0x7, v3;
	v4 =	vand.u32 $0xFFFFFFF0, v53  }
0x105: {  	v3 =	vor.u32 v3, v4  }
0x106: {  	v4 =	vperm.xlane v3, v0;
	_ =	sdelay $0x1  }
0x107: {  	v3 =	vperm.xlane v3, v2;
	v4 =	vadd.s32 v1, v4;
	_ =	sdelay $0x1  }
0x108: {  	v3 =	vadd.s32 v1, v3;
	_ =	sdelay $0x2  }
0x109: {  	[tilespmem:s24], [sflag:$0x1] =	stream.indirect_vreg.gather [hbm4b:s1+s3], $0x80, v4, vm0, $0xb8;
	[tilespmem:$0x8080] =	vst v63  }
0x10a: {  	_ = 	snop  }
0x10b: {  	[tilespmem:s25], [sflag:$0x1] =	stream.indirect_vreg.gather [hbm4b:s1+s3], $0x80, v3, vm0, $0xb8;
	[tilespmem:$0x8080] =	vst v63  }
0x10c: {  	v3 =	vld [tilespmem:$0x60];
	_ =	sdelay $0x4  }
0x10d: {  	v54 =	vshll.u32 v3, $0x1  }
0x10e: {  	v3 =	vand.u32 $0x7, v3;
	v4 =	vand.u32 $0xFFFFFFF0, v54  }
0x10f: {  	v3 =	vor.u32 v3, v4  }
0x110: {  	v4 =	vperm.xlane v3, v0;
	_ =	sdelay $0x1  }
0x111: {  	v3 =	vperm.xlane v3, v2;
	v4 =	vadd.s32 v1, v4;
	_ =	sdelay $0x1  }
0x112: {  	v3 =	vadd.s32 v1, v3;
	_ =	sdelay $0x2  }
0x113: {  	[tilespmem:s26], [sflag:$0x1] =	stream.indirect_vreg.gather [hbm4b:s1+s3], $0x80, v4, vm0, $0xb8;
	[tilespmem:$0x8080] =	vst v63  }
0x114: {  	_ = 	snop  }
0x115: {  	[tilespmem:s28], [sflag:$0x1] =	stream.indirect_vreg.gather [hbm4b:s1+s3], $0x80, v3, vm0, $0xb8;
	[tilespmem:$0x8080] =	vst v63  }
0x116: {  	v3 =	vld [tilespmem:$0x70];
	_ =	sdelay $0x4  }
0x117: {  	v55 =	vshll.u32 v3, $0x1  }
0x118: {  	v3 =	vand.u32 $0x7, v3;
	v4 =	vand.u32 $0xFFFFFFF0, v55  }
0x119: {  	v3 =	vor.u32 v3, v4  }
0x11a: {  	v4 =	vperm.xlane v3, v0;
	_ =	sdelay $0x1  }
0x11b: {  	v3 =	vperm.xlane v3, v2;
	v4 =	vadd.s32 v1, v4;
	_ =	sdelay $0x1  }
0x11c: {  	v3 =	vadd.s32 v1, v3;
	_ =	sdelay $0x2  }
0x11d: {  	[tilespmem:s29], [sflag:$0x1] =	stream.indirect_vreg.gather [hbm4b:s1+s3], $0x80, v4, vm0, $0xb8;
	[tilespmem:$0x8080] =	vst v63  }
0x11e: {  	_ = 	snop  }
0x11f: {  	[tilespmem:s30], [sflag:$0x1] =	stream.indirect_vreg.gather [hbm4b:s1+s3], $0x80, v3, vm0, $0xb8;
	[tilespmem:$0x8080] =	vst v63  }
0x120: {  	_ =	swait.ge [sflag:s31], $0x8000  }
0x121: {  	[sflag:s31] =	ssyncset.done $0x0  }
0x122: {  	[sflag:s31] =	ssyncadd.s32 $0xFFFF8000  }
0x123: {  	[hbm4b:s9+s3] =	stream.linear.scatter [tilespmem:s14], [sflag:$0x2], $0x8000, $0x38;
	[tilespmem:$0x8080] =	vst v63  }
0x124: {  	_ =	swait.ge [sflag:s13], $0x8000  }
0x125: {  	[sflag:s13] =	ssyncset.done $0x0  }
0x126: {  	[sflag:s13] =	ssyncadd.s32 $0xFFFF8000  }
0x127: {  	[tilespmem:s3], [sflag:$0x2] =	stream.linear.gather [hbm4b:s10+s3], $0x80, $0x38;
	[tilespmem:$0x8080] =	vst v63  }
0x128: {  	_ =	swait.ge [sflag:s13], $0x80  }
0x129: {  	[sflag:s13] =	ssyncset.done $0x0  }
0x12a: {  	[sflag:s13] =	ssyncadd.s32 $0xFFFFFF80  }
0x12b: {  	v3 =	vld [tilespmem:$0x0];
	_ =	sdelay $0x4  }
0x12c: {  	v56 =	vshll.u32 v3, $0x1  }
0x12d: {  	v3 =	vand.u32 $0x7, v3;
	v4 =	vand.u32 $0xFFFFFFF0, v56  }
0x12e: {  	v3 =	vor.u32 v3, v4  }
0x12f: {  	v4 =	vperm.xlane v3, v0;
	_ =	sdelay $0x1  }
0x130: {  	v3 =	vperm.xlane v3, v2;
	v4 =	vadd.s32 v1, v4;
	_ =	sdelay $0x1  }
0x131: {  	v3 =	vadd.s32 v1, v3;
	_ =	sdelay $0x2  }
0x132: {  	[tilespmem:s14], [sflag:$0x1] =	stream.indirect_vreg.gather [hbm4b:s1+s3], $0x80, v4, vm0, $0xb8;
	[tilespmem:$0x8080] =	vst v63  }
0x133: {  	_ = 	snop  }
0x134: {  	[tilespmem:s15], [sflag:$0x1] =	stream.indirect_vreg.gather [hbm4b:s1+s3], $0x80, v3, vm0, $0xb8;
	[tilespmem:$0x8080] =	vst v63  }
0x135: {  	v3 =	vld [tilespmem:$0x10];
	_ =	sdelay $0x4  }
0x136: {  	v57 =	vshll.u32 v3, $0x1  }
0x137: {  	v3 =	vand.u32 $0x7, v3;
	v4 =	vand.u32 $0xFFFFFFF0, v57  }
0x138: {  	v3 =	vor.u32 v3, v4  }
0x139: {  	v4 =	vperm.xlane v3, v0;
	_ =	sdelay $0x1  }
0x13a: {  	v3 =	vperm.xlane v3, v2;
	v4 =	vadd.s32 v1, v4;
	_ =	sdelay $0x1  }
0x13b: {  	v3 =	vadd.s32 v1, v3;
	_ =	sdelay $0x2  }
0x13c: {  	[tilespmem:s16], [sflag:$0x1] =	stream.indirect_vreg.gather [hbm4b:s1+s3], $0x80, v4, vm0, $0xb8;
	[tilespmem:$0x8080] =	vst v63  }
0x13d: {  	_ = 	snop  }
0x13e: {  	[tilespmem:s17], [sflag:$0x1] =	stream.indirect_vreg.gather [hbm4b:s1+s3], $0x80, v3, vm0, $0xb8;
	[tilespmem:$0x8080] =	vst v63  }
0x13f: {  	v3 =	vld [tilespmem:$0x20];
	_ =	sdelay $0x4  }
0x140: {  	v58 =	vshll.u32 v3, $0x1  }
0x141: {  	v3 =	vand.u32 $0x7, v3;
	v4 =	vand.u32 $0xFFFFFFF0, v58  }
0x142: {  	v3 =	vor.u32 v3, v4  }
0x143: {  	v4 =	vperm.xlane v3, v0;
	_ =	sdelay $0x1  }
0x144: {  	v3 =	vperm.xlane v3, v2;
	v4 =	vadd.s32 v1, v4;
	_ =	sdelay $0x1  }
0x145: {  	v3 =	vadd.s32 v1, v3;
	_ =	sdelay $0x2  }
0x146: {  	[tilespmem:s18], [sflag:$0x1] =	stream.indirect_vreg.gather [hbm4b:s1+s3], $0x80, v4, vm0, $0xb8;
	[tilespmem:$0x8080] =	vst v63  }
0x147: {  	_ = 	snop  }
0x148: {  	[tilespmem:s19], [sflag:$0x1] =	stream.indirect_vreg.gather [hbm4b:s1+s3], $0x80, v3, vm0, $0xb8;
	[tilespmem:$0x8080] =	vst v63  }
0x149: {  	v3 =	vld [tilespmem:$0x30];
	_ =	sdelay $0x4  }
0x14a: {  	v59 =	vshll.u32 v3, $0x1  }
0x14b: {  	v3 =	vand.u32 $0x7, v3;
	v4 =	vand.u32 $0xFFFFFFF0, v59  }
0x14c: {  	v3 =	vor.u32 v3, v4  }
0x14d: {  	v4 =	vperm.xlane v3, v0;
	_ =	sdelay $0x1  }
0x14e: {  	v3 =	vperm.xlane v3, v2;
	v4 =	vadd.s32 v1, v4;
	_ =	sdelay $0x1  }
0x14f: {  	v3 =	vadd.s32 v1, v3;
	_ =	sdelay $0x2  }
0x150: {  	[tilespmem:s20], [sflag:$0x1] =	stream.indirect_vreg.gather [hbm4b:s1+s3], $0x80, v4, vm0, $0xb8;
	[tilespmem:$0x8080] =	vst v63  }
0x151: {  	_ = 	snop  }
0x152: {  	[tilespmem:s21], [sflag:$0x1] =	stream.indirect_vreg.gather [hbm4b:s1+s3], $0x80, v3, vm0, $0xb8;
	[tilespmem:$0x8080] =	vst v63  }
0x153: {  	v3 =	vld [tilespmem:$0x40];
	_ =	sdelay $0x4  }
0x154: {  	v60 =	vshll.u32 v3, $0x1  }
0x155: {  	v3 =	vand.u32 $0x7, v3;
	v4 =	vand.u32 $0xFFFFFFF0, v60  }
0x156: {  	v3 =	vor.u32 v3, v4  }
0x157: {  	v4 =	vperm.xlane v3, v0;
	_ =	sdelay $0x1  }
0x158: {  	v3 =	vperm.xlane v3, v2;
	v4 =	vadd.s32 v1, v4;
	_ =	sdelay $0x1  }
0x159: {  	v3 =	vadd.s32 v1, v3;
	_ =	sdelay $0x2  }
0x15a: {  	[tilespmem:s22], [sflag:$0x1] =	stream.indirect_vreg.gather [hbm4b:s1+s3], $0x80, v4, vm0, $0xb8;
	[tilespmem:$0x8080] =	vst v63  }
0x15b: {  	_ = 	snop  }
0x15c: {  	[tilespmem:s23], [sflag:$0x1] =	stream.indirect_vreg.gather [hbm4b:s1+s3], $0x80, v3, vm0, $0xb8;
	[tilespmem:$0x8080] =	vst v63  }
0x15d: {  	v3 =	vld [tilespmem:$0x50];
	_ =	sdelay $0x4  }
0x15e: {  	v61 =	vshll.u32 v3, $0x1  }
0x15f: {  	v3 =	vand.u32 $0x7, v3;
	v4 =	vand.u32 $0xFFFFFFF0, v61  }
0x160: {  	v3 =	vor.u32 v3, v4  }
0x161: {  	v4 =	vperm.xlane v3, v0;
	_ =	sdelay $0x1  }
0x162: {  	v3 =	vperm.xlane v3, v2;
	v4 =	vadd.s32 v1, v4;
	_ =	sdelay $0x1  }
0x163: {  	v3 =	vadd.s32 v1, v3;
	_ =	sdelay $0x2  }
0x164: {  	[tilespmem:s24], [sflag:$0x1] =	stream.indirect_vreg.gather [hbm4b:s1+s3], $0x80, v4, vm0, $0xb8;
	[tilespmem:$0x8080] =	vst v63  }
0x165: {  	_ = 	snop  }
0x166: {  	[tilespmem:s25], [sflag:$0x1] =	stream.indirect_vreg.gather [hbm4b:s1+s3], $0x80, v3, vm0, $0xb8;
	[tilespmem:$0x8080] =	vst v63  }
0x167: {  	v3 =	vld [tilespmem:$0x60];
	_ =	sdelay $0x4  }
0x168: {  	v62 =	vshll.u32 v3, $0x1  }
0x169: {  	v3 =	vand.u32 $0x7, v3;
	v4 =	vand.u32 $0xFFFFFFF0, v62  }
0x16a: {  	v3 =	vor.u32 v3, v4  }
0x16b: {  	v4 =	vperm.xlane v3, v0;
	_ =	sdelay $0x1  }
0x16c: {  	v3 =	vperm.xlane v3, v2;
	v4 =	vadd.s32 v1, v4;
	_ =	sdelay $0x1  }
0x16d: {  	v3 =	vadd.s32 v1, v3;
	_ =	sdelay $0x2  }
0x16e: {  	[tilespmem:s26], [sflag:$0x1] =	stream.indirect_vreg.gather [hbm4b:s1+s3], $0x80, v4, vm0, $0xb8;
	[tilespmem:$0x8080] =	vst v63  }
0x16f: {  	_ = 	snop  }
0x170: {  	[tilespmem:s28], [sflag:$0x1] =	stream.indirect_vreg.gather [hbm4b:s1+s3], $0x80, v3, vm0, $0xb8;
	[tilespmem:$0x8080] =	vst v63  }
0x171: {  	v3 =	vld [tilespmem:$0x70];
	_ =	sdelay $0x4  }
0x172: {  	v63 =	vshll.u32 v3, $0x1  }
0x173: {  	v3 =	vand.u32 $0x7, v3;
	v4 =	vand.u32 $0xFFFFFFF0, v63  }
0x174: {  	v3 =	vor.u32 v3, v4  }
0x175: {  	v4 =	vperm.xlane v3, v0;
	_ =	sdelay $0x1  }
0x176: {  	v3 =	vperm.xlane v3, v2;
	v4 =	vadd.s32 v1, v4;
	_ =	sdelay $0x1  }
0x177: {  	v3 =	vadd.s32 v1, v3;
	_ =	sdelay $0x2  }
0x178: {  	[tilespmem:s29], [sflag:$0x1] =	stream.indirect_vreg.gather [hbm4b:s1+s3], $0x80, v4, vm0, $0xb8;
	[tilespmem:$0x8080] =	vst v63  }
0x179: {  	_ = 	snop  }
0x17a: {  	[tilespmem:s30], [sflag:$0x1] =	stream.indirect_vreg.gather [hbm4b:s1+s3], $0x80, v3, vm0, $0xb8;
	[tilespmem:$0x8080] =	vst v63  }
0x17b: {  	_ =	swait.ge [sflag:s31], $0x8000  }
0x17c: {  	p0 =	sne.s32 s12, $0x1;
	[sflag:s31] =	ssyncset.done $0x0  }
.Ltmp0:
0x17d: {  	[sflag:s31] =	ssyncadd.s32 $0xFFFF8000;
	(pc) =	sbr.rel @p0 .LBB2_1-.Ltmp0, $4  }
0x17e: {  	[hbm4b:s11+s3] =	stream.linear.scatter [tilespmem:s14], [sflag:$0x2], $0x8000, $0x38;
	[tilespmem:$0x8080] =	vst v63  }
0x17f: {  	_ =	swait.ge [sflag:s13], $0x8000  }
0x180: {  	[sflag:s13] =	ssyncset.done $0x0  }
0x181: {  	s12 =	sadd.s32 $0xFFFFFFFF, s12;
	[sflag:s13] =	ssyncadd.s32 $0xFFFF8000  }
0x182: {  	_ =	sfence.sel $0x180000  }
0x183: {  	[bflag:$0x0] =	sbarrier.arrive $0xFFFF  }
0x184: {  	p0 =	sne.s32 s2, $0x0;
	_ =	strace $0x90000047  }
0x185: {  	s0 =	sadd.s32 @!p0 $0x100000, s0;
	[bflag:$0x2] =	sbarrier.arrive $0xFFFF  }
0x186: {  	[sflag:s0] =	ssyncadd.tile.s32 @!p0 $0x1;
	_ =	shalt  }
.Lfunc_end2:
_tile_overlayer_lowered:
.L_overlay_start_2:
0x187: {  	(tag) =	ssettag $0x2  }
0x188: {  	s0 =	rddreg [dreg:$0x0];
	s2 =	stileid.u32  }
0x189: {  	s1 =	rddreg [dreg:$0x1];
	p0 =	sne.s32 s2, $0x0  }
0x18a: {  	s3 =	rddreg [dreg:$0x2];
	[bflag:$0x3] =	sbarrier.arrive $0xFFFF;
	s2 =	simm.s32 @!p0 $0x1C02  }
0x18b: {  	[timem:s3], [sflag:s2] =	dma.local @!p0 [hbm:s0], s1  }
0x18c: {  	s0 =	simm.s32 @!p0 $0x2  }
0x18d: {  	_ =	swait.ge @!p0 [sflag:s0], s1  }
0x18e: {  	s1 =	ssub.s32 @!p0 $0x0, s1;
	[sflag:s0] =	ssyncset.done @!p0 $0x0  }
0x18f: {  	[sflag:s0] =	ssyncadd.s32 @!p0 s1  }
0x190: {  	[bflag:$0x3] =	sbarrier.arrive $0xFFFF  }
0x191: {  	_ =	shalt  }

</sc_bundles>
